<compile_context>
chip_gen: v7x
topology: tpu7x:2x2x1
jax: 0.10.2.dev20260603
libtpu: 0.0.44.dev20260713+nightly
codegen_flags: <defaults>
</compile_context>

<pallas_src>
import functools

import jax
import jax.numpy as jnp
from jax import lax
from jax.experimental import pallas as pl
from jax.experimental.pallas import tpu as pltpu
from jax.experimental.pallas import tpu_sc as plsc

N_NODES = 10000
D = 256
N_EDGES = 160000

NC = 2
NS = 16
NW = NC * NS
OWN = 320
TRASH = OWN
ACC_ROWS = 328
B = 128
NBND = 48


def _segsum_body(bnd_hbm, src_hbm, dst_hbm, x_hbm, out_hbm,
                 bndb, srcbuf, dstbuf, rows, acc):
    cid = lax.axis_index("c")
    sid = lax.axis_index("s")
    w = sid * NC + cid
    lo_row = w * OWN

    zv = jnp.zeros((16,), jnp.float32)

    def zrow(r, _):
        for f in range(D // 16):
            acc[r, pl.ds(f * 16, 16)] = zv
        return 0

    lax.fori_loop(0, ACC_ROWS, zrow, 0)

    pltpu.sync_copy(bnd_hbm, bndb)
    bv = bndb[pl.ds(w, 16)]
    lo = bv[0]
    hi = bv[1]
    k0 = lo // B
    k1 = (hi + B - 1) // B

    def block(k, _):
        base = pl.multiple_of(k * B, B)
        pltpu.sync_copy(src_hbm.at[pl.ds(base, B)], srcbuf)
        pltpu.sync_copy(dst_hbm.at[pl.ds(base, B)], dstbuf.at[pl.ds(0, B)])
        pltpu.sync_copy(x_hbm.at[srcbuf], rows)

        def edge(e, _):
            d = dstbuf[pl.ds(e, 16)][0]
            local = d - lo_row
            r = jnp.where((local >= 0) & (local < OWN), local, TRASH)
            for f in range(D // 16):
                sl = pl.ds(f * 16, 16)
                plsc.addupdate(acc.at[r, sl], rows[e, sl])
            return 0

        return lax.fori_loop(0, B, edge, 0)

    lax.fori_loop(k0, k1, block, 0, unroll=False)

    gbase = pl.multiple_of(w * OWN, 64)

    @pl.when(w < NW - 1)
    def _():
        pltpu.sync_copy(acc.at[pl.ds(0, OWN)], out_hbm.at[pl.ds(gbase, OWN)])

    @pl.when(w == NW - 1)
    def _():
        pltpu.sync_copy(acc.at[pl.ds(0, N_NODES - (NW - 1) * OWN)],
                        out_hbm.at[pl.ds(gbase, N_NODES - (NW - 1) * OWN)])


@jax.jit
def _sc_segsum(bnd, ssrc, sdst, x):
    mesh = plsc.VectorSubcoreMesh(core_axis_name="c", subcore_axis_name="s")
    f = pl.kernel(
        _segsum_body,
        out_type=jax.ShapeDtypeStruct((N_NODES, D), jnp.float32),
        mesh=mesh,
        scratch_types=[
            pltpu.VMEM((NBND,), jnp.int32),
            pltpu.VMEM((B,), jnp.int32),
            pltpu.VMEM((B + 16,), jnp.int32),
            pltpu.VMEM((B, D), jnp.float32),
            pltpu.VMEM((ACC_ROWS, D), jnp.float32),
        ],
    )
    return f(bnd, ssrc, sdst, x)


def _dense_body(apply_relu, agg_ref, x_ref, wl_ref, wr_ref, b_ref, o_ref):
    h = jnp.dot(agg_ref[...], wl_ref[...], preferred_element_type=jnp.float32)
    h = h + jnp.dot(x_ref[...], wr_ref[...], preferred_element_type=jnp.float32)
    h = h + b_ref[...]
    nrm = jnp.sqrt(jnp.sum(h * h, axis=1, keepdims=True))
    h = h / jnp.maximum(nrm, 1e-12)
    if apply_relu:
        h = jnp.maximum(h, 0.0)
    o_ref[...] = h


def _dense(agg, x, wlT, wrT, b2d, apply_relu):
    R = 1000
    grid = (N_NODES // R,)
    return pl.pallas_call(
        functools.partial(_dense_body, apply_relu),
        grid=grid,
        in_specs=[
            pl.BlockSpec((R, D), lambda i: (i, 0)),
            pl.BlockSpec((R, D), lambda i: (i, 0)),
            pl.BlockSpec((D, D), lambda i: (0, 0)),
            pl.BlockSpec((D, D), lambda i: (0, 0)),
            pl.BlockSpec((1, D), lambda i: (0, 0)),
        ],
        out_specs=pl.BlockSpec((R, D), lambda i: (i, 0)),
        out_shape=jax.ShapeDtypeStruct((N_NODES, D), jnp.float32),
    )(agg, x, wlT, wrT, b2d)


def kernel(x, edge_index, W1_l, b1, W1_r, W2_l, b2, W2_r, W3_l, b3, W3_r):
    src = edge_index[0].astype(jnp.int32)
    dst = edge_index[1].astype(jnp.int32)
    sdst, ssrc = lax.sort_key_val(dst, src)
    bounds = jnp.searchsorted(sdst, jnp.arange(NW + 1, dtype=jnp.int32) * OWN)
    bnd = jnp.zeros((NBND,), jnp.int32).at[: NW + 1].set(
        bounds.astype(jnp.int32))

    agg1 = _sc_segsum(bnd, ssrc, sdst, x)
    h1 = _dense(agg1, x, W1_l.T, W1_r.T, b1.reshape(1, D), True)
    agg2 = _sc_segsum(bnd, ssrc, sdst, h1)
    h2 = _dense(agg2, h1, W2_l.T, W2_r.T, b2.reshape(1, D), True)
    agg3 = _sc_segsum(bnd, ssrc, sdst, h2)
    out = _dense(agg3, h2, W3_l.T, W3_r.T, b3.reshape(1, D), False)
    return out

# --- scband reference (transcript-rebuilt; emitter-appended) ---
"""Pipeline reference for scband-sage-90005334655497 (READ-ONLY COPY).

The authoritative reference and input builder live on the scoring server;
editing this copy changes nothing except your own understanding.
"""

import jax, jax.numpy as jnp
import numpy as np

N_NODES = 10000
N_EDGES = 160000
D_IN = 256
D_HID = 256
D_OUT = 256


def _glorot(key, shape):
    fan_in, fan_out = shape[1], shape[0]
    limit = jnp.sqrt(6.0 / (fan_in + fan_out))
    return jax.random.uniform(key, shape, minval=-limit, maxval=limit, dtype=jnp.float32)


def setup_inputs(seed: int = 0) -> dict:
    key = jax.random.key(seed)
    ks = jax.random.split(key, 12)
    x = jax.random.normal(ks[0], (N_NODES, D_IN), dtype=jnp.float32)
    edge_index = jax.random.randint(ks[1], (2, N_EDGES), 0, N_NODES, dtype=jnp.int64 if jax.config.jax_enable_x64 else jnp.int32).astype(jnp.int32)
    # layer 1 params (SAGEConv: lin_l on aggregated neighbors w/ bias, lin_r on root w/o bias)
    W1_l = _glorot(ks[2], (D_HID, D_IN)); b1 = jnp.zeros((D_HID,), jnp.float32); W1_r = _glorot(ks[3], (D_HID, D_IN))
    W2_l = _glorot(ks[4], (D_HID, D_HID)); b2 = jnp.zeros((D_HID,), jnp.float32); W2_r = _glorot(ks[5], (D_HID, D_HID))
    W3_l = _glorot(ks[6], (D_OUT, D_HID)); b3 = jnp.zeros((D_OUT,), jnp.float32); W3_r = _glorot(ks[7], (D_OUT, D_HID))
    return {"x": x, "edge_index": edge_index,
            "W1_l": W1_l, "b1": b1, "W1_r": W1_r,
            "W2_l": W2_l, "b2": b2, "W2_r": W2_r,
            "W3_l": W3_l, "b3": b3, "W3_r": W3_r}


def _sage_conv(x, edge_index, W_l, b, W_r):
    src = edge_index[0]
    dst = edge_index[1]
    msgs = jnp.take(x, src, axis=0)                      # gather source features
    agg = jax.ops.segment_sum(msgs, dst, num_segments=x.shape[0])  # aggr='add'
    out = agg @ W_l.T + b + x @ W_r.T
    # normalize=True -> row-wise L2 normalization
    nrm = jnp.linalg.norm(out, axis=-1, keepdims=True)
    out = out / jnp.maximum(nrm, 1e-12)
    return out


def reference(x, edge_index, W1_l, b1, W1_r, W2_l, b2, W2_r, W3_l, b3, W3_r):
    # layer 1 + relu (dropout is identity in eval mode)
    h = _sage_conv(x, edge_index, W1_l, b1, W1_r)
    h = jax.nn.relu(h)
    # layer 2 + relu
    h = _sage_conv(h, edge_index, W2_l, b2, W2_r)
    h = jax.nn.relu(h)
    # final layer (no activation)
    h = _sage_conv(h, edge_index, W3_l, b3, W3_r)
    return h

if __name__ == "__main__":
    import jax
    _d = setup_inputs()
    print(jax.jit(kernel)(*tuple(_d.values())))

</pallas_src>

<mosaic_0001>
#map = affine_map<(d0, d1) -> (0)>
#map1 = affine_map<(d0, d1) -> (0, 0)>
module attributes {stable_mosaic.version = 14 : i64} {
  func.func @_segsum_body(%arg0: i32, %arg1: i32, %arg2: memref<48xi32, #tpu.memory_space<hbm>>, %arg3: memref<160000xi32, #tpu.memory_space<hbm>>, %arg4: memref<160000xi32, #tpu.memory_space<hbm>>, %arg5: memref<10000x256xf32, #tpu.memory_space<hbm>>, %arg6: memref<10000x256xf32, #tpu.memory_space<hbm>>, %arg7: memref<48xi32, #tpu.memory_space<vmem>>, %arg8: memref<128xi32, #tpu.memory_space<vmem>>, %arg9: memref<144xi32, #tpu.memory_space<vmem>>, %arg10: memref<128x256xf32, #tpu.memory_space<vmem>>, %arg11: memref<328x256xf32, #tpu.memory_space<vmem>>) attributes {dimension_semantics = [#tpu.dimension_semantics<core_parallel>, #tpu.dimension_semantics<subcore_parallel>], iteration_bounds = array<i64: 2, 16>, scalar_prefetch = 0 : i64, scratch_operands = 5 : i64, tpu.core_type = #tpu.core_type<sc_vector_subcore>, window_params = [{transform_indices = #map}, {transform_indices = #map}, {transform_indices = #map}, {transform_indices = #map1}, {transform_indices = #map1}]} {
    %mul3A = arith.constant 2 : i32
    %mul3A_0 = arith.muli %arg1, %mul3A : i32
    %add3A = arith.addi %mul3A_0, %arg0 : i32
    %mul3A_1 = arith.constant 320 : i32
    %mul3A_2 = arith.muli %add3A, %mul3A_1 : i32
    %broadcast_in_dim3A = arith.constant 0.000000e+00 : f32
    %broadcast_in_dim3A_3 = vector.broadcast %broadcast_in_dim3A : f32 to vector<16xf32>
    %scan3A = arith.constant 0 : i32
    %scan3A_4 = arith.constant 0 : i32
    %scan3A_5 = arith.constant 328 : i32
    %scan3A_6 = arith.addi %scan3A_4, %scan3A_5 : i32
    %scan3A_7 = arith.constant 1 : i32
    %scan3A_8 = scf.for %scan3A_76 = %scan3A_4 to %scan3A_6 step %scan3A_7 iter_args(%scan3A_77 = %scan3A) -> (i32)  : i32 {
      %swap3A = arith.index_cast %scan3A_76 : i32 to index
      %swap3A_78 = arith.constant 0 : index
      %swap3A_79 = tpu.vector_load %arg11[%swap3A, %swap3A_78] {strides = array<i32>} : memref<328x256xf32, #tpu.memory_space<vmem>>, vector<1x16xf32>,
      %swap3A_80 = vector.shape_cast %swap3A_79 : vector<1x16xf32> to vector<16xf32>
      %swap3A_81 = vector.shape_cast %broadcast_in_dim3A_3 : vector<16xf32> to vector<1x16xf32>
      tpu.vector_store %arg11[%swap3A, %swap3A_78], %swap3A_81 {strides = array<i32>} : memref<328x256xf32, #tpu.memory_space<vmem>>, vector<1x16xf32>,
      %swap3A_82 = arith.index_cast %scan3A_76 : i32 to index
      %swap3A_83 = arith.constant 16 : index
      %swap3A_84 = tpu.vector_load %arg11[%swap3A_82, %swap3A_83] {strides = array<i32>} : memref<328x256xf32, #tpu.memory_space<vmem>>, vector<1x16xf32>,
      %swap3A_85 = vector.shape_cast %swap3A_84 : vector<1x16xf32> to vector<16xf32>
      %swap3A_86 = vector.shape_cast %broadcast_in_dim3A_3 : vector<16xf32> to vector<1x16xf32>
      tpu.vector_store %arg11[%swap3A_82, %swap3A_83], %swap3A_86 {strides = array<i32>} : memref<328x256xf32, #tpu.memory_space<vmem>>, vector<1x16xf32>,
      %swap3A_87 = arith.index_cast %scan3A_76 : i32 to index
      %swap3A_88 = arith.constant 32 : index
      %swap3A_89 = tpu.vector_load %arg11[%swap3A_87, %swap3A_88] {strides = array<i32>} : memref<328x256xf32, #tpu.memory_space<vmem>>, vector<1x16xf32>,
      %swap3A_90 = vector.shape_cast %swap3A_89 : vector<1x16xf32> to vector<16xf32>
      %swap3A_91 = vector.shape_cast %broadcast_in_dim3A_3 : vector<16xf32> to vector<1x16xf32>
      tpu.vector_store %arg11[%swap3A_87, %swap3A_88], %swap3A_91 {strides = array<i32>} : memref<328x256xf32, #tpu.memory_space<vmem>>, vector<1x16xf32>,
      %swap3A_92 = arith.index_cast %scan3A_76 : i32 to index
      %swap3A_93 = arith.constant 48 : index
      %swap3A_94 = tpu.vector_load %arg11[%swap3A_92, %swap3A_93] {strides = array<i32>} : memref<328x256xf32, #tpu.memory_space<vmem>>, vector<1x16xf32>,
      %swap3A_95 = vector.shape_cast %swap3A_94 : vector<1x16xf32> to vector<16xf32>
      %swap3A_96 = vector.shape_cast %broadcast_in_dim3A_3 : vector<16xf32> to vector<1x16xf32>
      tpu.vector_store %arg11[%swap3A_92, %swap3A_93], %swap3A_96 {strides = array<i32>} : memref<328x256xf32, #tpu.memory_space<vmem>>, vector<1x16xf32>,
      %swap3A_97 = arith.index_cast %scan3A_76 : i32 to index
      %swap3A_98 = arith.constant 64 : index
      %swap3A_99 = tpu.vector_load %arg11[%swap3A_97, %swap3A_98] {strides = array<i32>} : memref<328x256xf32, #tpu.memory_space<vmem>>, vector<1x16xf32>,
      %swap3A_100 = vector.shape_cast %swap3A_99 : vector<1x16xf32> to vector<16xf32>
      %swap3A_101 = vector.shape_cast %broadcast_in_dim3A_3 : vector<16xf32> to vector<1x16xf32>
      tpu.vector_store %arg11[%swap3A_97, %swap3A_98], %swap3A_101 {strides = array<i32>} : memref<328x256xf32, #tpu.memory_space<vmem>>, vector<1x16xf32>,
      %swap3A_102 = arith.index_cast %scan3A_76 : i32 to index
      %swap3A_103 = arith.constant 80 : index
      %swap3A_104 = tpu.vector_load %arg11[%swap3A_102, %swap3A_103] {strides = array<i32>} : memref<328x256xf32, #tpu.memory_space<vmem>>, vector<1x16xf32>,
      %swap3A_105 = vector.shape_cast %swap3A_104 : vector<1x16xf32> to vector<16xf32>
      %swap3A_106 = vector.shape_cast %broadcast_in_dim3A_3 : vector<16xf32> to vector<1x16xf32>
      tpu.vector_store %arg11[%swap3A_102, %swap3A_103], %swap3A_106 {strides = array<i32>} : memref<328x256xf32, #tpu.memory_space<vmem>>, vector<1x16xf32>,
      %swap3A_107 = arith.index_cast %scan3A_76 : i32 to index
      %swap3A_108 = arith.constant 96 : index
      %swap3A_109 = tpu.vector_load %arg11[%swap3A_107, %swap3A_108] {strides = array<i32>} : memref<328x256xf32, #tpu.memory_space<vmem>>, vector<1x16xf32>,
      %swap3A_110 = vector.shape_cast %swap3A_109 : vector<1x16xf32> to vector<16xf32>
      %swap3A_111 = vector.shape_cast %broadcast_in_dim3A_3 : vector<16xf32> to vector<1x16xf32>
      tpu.vector_store %arg11[%swap3A_107, %swap3A_108], %swap3A_111 {strides = array<i32>} : memref<328x256xf32, #tpu.memory_space<vmem>>, vector<1x16xf32>,
      %swap3A_112 = arith.index_cast %scan3A_76 : i32 to index
      %swap3A_113 = arith.constant 112 : index
      %swap3A_114 = tpu.vector_load %arg11[%swap3A_112, %swap3A_113] {strides = array<i32>} : memref<328x256xf32, #tpu.memory_space<vmem>>, vector<1x16xf32>,
      %swap3A_115 = vector.shape_cast %swap3A_114 : vector<1x16xf32> to vector<16xf32>
      %swap3A_116 = vector.shape_cast %broadcast_in_dim3A_3 : vector<16xf32> to vector<1x16xf32>
      tpu.vector_store %arg11[%swap3A_112, %swap3A_113], %swap3A_116 {strides = array<i32>} : memref<328x256xf32, #tpu.memory_space<vmem>>, vector<1x16xf32>,
      %swap3A_117 = arith.index_cast %scan3A_76 : i32 to index
      %swap3A_118 = arith.constant 128 : index
      %swap3A_119 = tpu.vector_load %arg11[%swap3A_117, %swap3A_118] {strides = array<i32>} : memref<328x256xf32, #tpu.memory_space<vmem>>, vector<1x16xf32>,
      %swap3A_120 = vector.shape_cast %swap3A_119 : vector<1x16xf32> to vector<16xf32>
      %swap3A_121 = vector.shape_cast %broadcast_in_dim3A_3 : vector<16xf32> to vector<1x16xf32>
      tpu.vector_store %arg11[%swap3A_117, %swap3A_118], %swap3A_121 {strides = array<i32>} : memref<328x256xf32, #tpu.memory_space<vmem>>, vector<1x16xf32>,
      %swap3A_122 = arith.index_cast %scan3A_76 : i32 to index
      %swap3A_123 = arith.constant 144 : index
      %swap3A_124 = tpu.vector_load %arg11[%swap3A_122, %swap3A_123] {strides = array<i32>} : memref<328x256xf32, #tpu.memory_space<vmem>>, vector<1x16xf32>,
      %swap3A_125 = vector.shape_cast %swap3A_124 : vector<1x16xf32> to vector<16xf32>
      %swap3A_126 = vector.shape_cast %broadcast_in_dim3A_3 : vector<16xf32> to vector<1x16xf32>
      tpu.vector_store %arg11[%swap3A_122, %swap3A_123], %swap3A_126 {strides = array<i32>} : memref<328x256xf32, #tpu.memory_space<vmem>>, vector<1x16xf32>,
      %swap3A_127 = arith.index_cast %scan3A_76 : i32 to index
      %swap3A_128 = arith.constant 160 : index
      %swap3A_129 = tpu.vector_load %arg11[%swap3A_127, %swap3A_128] {strides = array<i32>} : memref<328x256xf32, #tpu.memory_space<vmem>>, vector<1x16xf32>,
      %swap3A_130 = vector.shape_cast %swap3A_129 : vector<1x16xf32> to vector<16xf32>
      %swap3A_131 = vector.shape_cast %broadcast_in_dim3A_3 : vector<16xf32> to vector<1x16xf32>
      tpu.vector_store %arg11[%swap3A_127, %swap3A_128], %swap3A_131 {strides = array<i32>} : memref<328x256xf32, #tpu.memory_space<vmem>>, vector<1x16xf32>,
      %swap3A_132 = arith.index_cast %scan3A_76 : i32 to index
      %swap3A_133 = arith.constant 176 : index
      %swap3A_134 = tpu.vector_load %arg11[%swap3A_132, %swap3A_133] {strides = array<i32>} : memref<328x256xf32, #tpu.memory_space<vmem>>, vector<1x16xf32>,
      %swap3A_135 = vector.shape_cast %swap3A_134 : vector<1x16xf32> to vector<16xf32>
      %swap3A_136 = vector.shape_cast %broadcast_in_dim3A_3 : vector<16xf32> to vector<1x16xf32>
      tpu.vector_store %arg11[%swap3A_132, %swap3A_133], %swap3A_136 {strides = array<i32>} : memref<328x256xf32, #tpu.memory_space<vmem>>, vector<1x16xf32>,
      %swap3A_137 = arith.index_cast %scan3A_76 : i32 to index
      %swap3A_138 = arith.constant 192 : index
      %swap3A_139 = tpu.vector_load %arg11[%swap3A_137, %swap3A_138] {strides = array<i32>} : memref<328x256xf32, #tpu.memory_space<vmem>>, vector<1x16xf32>,
      %swap3A_140 = vector.shape_cast %swap3A_139 : vector<1x16xf32> to vector<16xf32>
      %swap3A_141 = vector.shape_cast %broadcast_in_dim3A_3 : vector<16xf32> to vector<1x16xf32>
      tpu.vector_store %arg11[%swap3A_137, %swap3A_138], %swap3A_141 {strides = array<i32>} : memref<328x256xf32, #tpu.memory_space<vmem>>, vector<1x16xf32>,
      %swap3A_142 = arith.index_cast %scan3A_76 : i32 to index
      %swap3A_143 = arith.constant 208 : index
      %swap3A_144 = tpu.vector_load %arg11[%swap3A_142, %swap3A_143] {strides = array<i32>} : memref<328x256xf32, #tpu.memory_space<vmem>>, vector<1x16xf32>,
      %swap3A_145 = vector.shape_cast %swap3A_144 : vector<1x16xf32> to vector<16xf32>
      %swap3A_146 = vector.shape_cast %broadcast_in_dim3A_3 : vector<16xf32> to vector<1x16xf32>
      tpu.vector_store %arg11[%swap3A_142, %swap3A_143], %swap3A_146 {strides = array<i32>} : memref<328x256xf32, #tpu.memory_space<vmem>>, vector<1x16xf32>,
      %swap3A_147 = arith.index_cast %scan3A_76 : i32 to index
      %swap3A_148 = arith.constant 224 : index
      %swap3A_149 = tpu.vector_load %arg11[%swap3A_147, %swap3A_148] {strides = array<i32>} : memref<328x256xf32, #tpu.memory_space<vmem>>, vector<1x16xf32>,
      %swap3A_150 = vector.shape_cast %swap3A_149 : vector<1x16xf32> to vector<16xf32>
      %swap3A_151 = vector.shape_cast %broadcast_in_dim3A_3 : vector<16xf32> to vector<1x16xf32>
      tpu.vector_store %arg11[%swap3A_147, %swap3A_148], %swap3A_151 {strides = array<i32>} : memref<328x256xf32, #tpu.memory_space<vmem>>, vector<1x16xf32>,
      %swap3A_152 = arith.index_cast %scan3A_76 : i32 to index
      %swap3A_153 = arith.constant 240 : index
      %swap3A_154 = tpu.vector_load %arg11[%swap3A_152, %swap3A_153] {strides = array<i32>} : memref<328x256xf32, #tpu.memory_space<vmem>>, vector<1x16xf32>,
      %swap3A_155 = vector.shape_cast %swap3A_154 : vector<1x16xf32> to vector<16xf32>
      %swap3A_156 = vector.shape_cast %broadcast_in_dim3A_3 : vector<16xf32> to vector<1x16xf32>
      tpu.vector_store %arg11[%swap3A_152, %swap3A_153], %swap3A_156 {strides = array<i32>} : memref<328x256xf32, #tpu.memory_space<vmem>>, vector<1x16xf32>,
      %scan3A_157 = arith.constant 0 : i32
      scf.yield %scan3A_157 : i32
    }
    %scan3A_9 = arith.constant 328 : i32
    "tpu.region"() ({
      %run_scoped3A = tpu.sem_alloc : memref<!tpu.dma_semaphore, #tpu.memory_space<semaphore_mem>>
      tpu.enqueue_dma source(%arg2 : memref<48xi32, #tpu.memory_space<hbm>>) target(%arg7 : memref<48xi32, #tpu.memory_space<vmem>>) target_semaphore(%run_scoped3A : memref<!tpu.dma_semaphore, #tpu.memory_space<semaphore_mem>>)
      tpu.wait_dma2 semaphore(%run_scoped3A : memref<!tpu.dma_semaphore, #tpu.memory_space<semaphore_mem>>) src(%arg2 : memref<48xi32, #tpu.memory_space<hbm>>) dst(%arg7 : memref<48xi32, #tpu.memory_space<vmem>>)
      tpu.yield
    }) : () -> ()
    %get3A = arith.index_cast %add3A : i32 to index
    %get3A_10 = tpu.vector_load %arg7[%get3A] {strides = array<i32>} : memref<48xi32, #tpu.memory_space<vmem>>, vector<16xi32>,
    %get3A_11 = vector.shape_cast %get3A_10 : vector<16xi32> to vector<16xi32>
    %slice3A = vector.extract_strided_slice %get3A_11 {offsets = [0], sizes = [1], strides = [1]} : vector<16xi32> to vector<1xi32>
    %squeeze3A = vector.extract %slice3A[0] : i32 from vector<1xi32>
    %slice3A_12 = vector.extract_strided_slice %get3A_11 {offsets = [1], sizes = [1], strides = [1]} : vector<16xi32> to vector<1xi32>
    %squeeze3A_13 = vector.extract %slice3A_12[0] : i32 from vector<1xi32>
    %jit3A = arith.constant 128 : i32
    %div3A = arith.divsi %squeeze3A, %jit3A : i32
    %sign3A = arith.constant 0 : i32
    %sign3A_14 = arith.cmpi sgt, %squeeze3A, %sign3A : i32
    %sign3A_15 = arith.extui %sign3A_14 : i1 to i32
    %sign3A_16 = arith.constant 0 : i32
    %sign3A_17 = arith.cmpi slt, %squeeze3A, %sign3A_16 : i32
    %sign3A_18 = arith.extui %sign3A_17 : i1 to i32
    %sign3A_19 = arith.subi %sign3A_15, %sign3A_18 : i32
    %sign3A_20 = arith.constant 0 : i32
    %sign3A_21 = arith.cmpi sgt, %jit3A, %sign3A_20 : i32
    %sign3A_22 = arith.extui %sign3A_21 : i1 to i32
    %sign3A_23 = arith.constant 0 : i32
    %sign3A_24 = arith.cmpi slt, %jit3A, %sign3A_23 : i32
    %sign3A_25 = arith.extui %sign3A_24 : i1 to i32
    %sign3A_26 = arith.subi %sign3A_22, %sign3A_25 : i32
    %ne3A = arith.cmpi ne, %sign3A_19, %sign3A_26 : i32
    %rem3A = arith.remsi %squeeze3A, %jit3A : i32
    %ne3A_27 = arith.constant 0 : i32
    %ne3A_28 = arith.cmpi ne, %rem3A, %ne3A_27 : i32
    %and3A = arith.andi %ne3A, %ne3A_28 : i1
    %sub3A = arith.constant 1 : i32
    %sub3A_29 = arith.subi %div3A, %sub3A : i32
    %select_n3A = arith.select %and3A, %sub3A_29, %div3A : i32
    %add3A_30 = arith.constant 128 : i32
    %add3A_31 = arith.addi %squeeze3A_13, %add3A_30 : i32
    %sub3A_32 = arith.constant 1 : i32
    %sub3A_33 = arith.subi %add3A_31, %sub3A_32 : i32
    %jit3A_34 = arith.constant 128 : i32
    %div3A_35 = arith.divsi %sub3A_33, %jit3A_34 : i32
    %sign3A_36 = arith.constant 0 : i32
    %sign3A_37 = arith.cmpi sgt, %sub3A_33, %sign3A_36 : i32
    %sign3A_38 = arith.extui %sign3A_37 : i1 to i32
    %sign3A_39 = arith.constant 0 : i32
    %sign3A_40 = arith.cmpi slt, %sub3A_33, %sign3A_39 : i32
    %sign3A_41 = arith.extui %sign3A_40 : i1 to i32
    %sign3A_42 = arith.subi %sign3A_38, %sign3A_41 : i32
    %sign3A_43 = arith.constant 0 : i32
    %sign3A_44 = arith.cmpi sgt, %jit3A_34, %sign3A_43 : i32
    %sign3A_45 = arith.extui %sign3A_44 : i1 to i32
    %sign3A_46 = arith.constant 0 : i32
    %sign3A_47 = arith.cmpi slt, %jit3A_34, %sign3A_46 : i32
    %sign3A_48 = arith.extui %sign3A_47 : i1 to i32
    %sign3A_49 = arith.subi %sign3A_45, %sign3A_48 : i32
    %ne3A_50 = arith.cmpi ne, %sign3A_42, %sign3A_49 : i32
    %rem3A_51 = arith.remsi %sub3A_33, %jit3A_34 : i32
    %ne3A_52 = arith.constant 0 : i32
    %ne3A_53 = arith.cmpi ne, %rem3A_51, %ne3A_52 : i32
    %and3A_54 = arith.andi %ne3A_50, %ne3A_53 : i1
    %sub3A_55 = arith.constant 1 : i32
    %sub3A_56 = arith.subi %div3A_35, %sub3A_55 : i32
    %select_n3A_57 = arith.select %and3A_54, %sub3A_56, %div3A_35 : i32
    %while3A = arith.constant 0 : i32
    %while3A_58 = arith.subi %select_n3A_57, %select_n3A : i32
    %while3A_59 = arith.addi %select_n3A, %while3A_58 : i32
    %while3A_60 = arith.constant 1 : i32
    %while3A_61 = arith.divsi %while3A_58, %while3A_60 : i32
    %while3A_62 = arith.muli %while3A_61, %while3A_60 : i32
    %while3A_63 = arith.addi %select_n3A, %while3A_62 : i32
    %while3A_64 = arith.constant 1 : i32
    %while3A_65 = scf.for %while3A_76 = %select_n3A to %while3A_63 step %while3A_64 iter_args(%while3A_77 = %while3A) -> (i32)  : i32 {
      %mul3A_78 = arith.constant 128 : i32
      %mul3A_79 = arith.muli %while3A_76, %mul3A_78 : i32
      %multiple_of3A_80 = tpu.assume_multiple %mul3A_79, 128 : i32
      "tpu.region"() ({
        %run_scoped3A = tpu.sem_alloc : memref<!tpu.dma_semaphore, #tpu.memory_space<semaphore_mem>>
        %dma_start3A = tpu.memref_slice %arg3[%multiple_of3A_80] : memref<160000xi32, #tpu.memory_space<hbm>> -> memref<128xi32, #tpu.memory_space<hbm>>
        %dma_start3A_88 = tpu.memref_slice %arg3[%multiple_of3A_80] : memref<160000xi32, #tpu.memory_space<hbm>> -> memref<128xi32, #tpu.memory_space<hbm>>
        tpu.enqueue_dma source(%dma_start3A_88 : memref<128xi32, #tpu.memory_space<hbm>>) target(%arg8 : memref<128xi32, #tpu.memory_space<vmem>>) target_semaphore(%run_scoped3A : memref<!tpu.dma_semaphore, #tpu.memory_space<semaphore_mem>>)
        %dma_wait3A = tpu.memref_slice %arg3[%multiple_of3A_80] : memref<160000xi32, #tpu.memory_space<hbm>> -> memref<128xi32, #tpu.memory_space<hbm>>
        %dma_wait3A_89 = tpu.memref_slice %arg3[%multiple_of3A_80] : memref<160000xi32, #tpu.memory_space<hbm>> -> memref<128xi32, #tpu.memory_space<hbm>>
        tpu.wait_dma2 semaphore(%run_scoped3A : memref<!tpu.dma_semaphore, #tpu.memory_space<semaphore_mem>>) src(%dma_wait3A_89 : memref<128xi32, #tpu.memory_space<hbm>>) dst(%arg8 : memref<128xi32, #tpu.memory_space<vmem>>)
        tpu.yield
      }) : () -> ()
      "tpu.region"() ({
        %run_scoped3A = tpu.sem_alloc : memref<!tpu.dma_semaphore, #tpu.memory_space<semaphore_mem>>
        %dma_start3A = arith.constant 0 : i32
        %dma_start3A_88 = tpu.memref_slice %arg9[%dma_start3A] : memref<144xi32, #tpu.memory_space<vmem>> -> memref<128xi32, #tpu.memory_space<vmem>>
        %dma_start3A_89 = tpu.memref_slice %arg4[%multiple_of3A_80] : memref<160000xi32, #tpu.memory_space<hbm>> -> memref<128xi32, #tpu.memory_space<hbm>>
        %dma_start3A_90 = arith.constant 0 : i32
        %dma_start3A_91 = tpu.memref_slice %arg9[%dma_start3A_90] : memref<144xi32, #tpu.memory_space<vmem>> -> memref<128xi32, #tpu.memory_space<vmem>>
        %dma_start3A_92 = tpu.memref_slice %arg4[%multiple_of3A_80] : memref<160000xi32, #tpu.memory_space<hbm>> -> memref<128xi32, #tpu.memory_space<hbm>>
        tpu.enqueue_dma source(%dma_start3A_92 : memref<128xi32, #tpu.memory_space<hbm>>) target(%dma_start3A_91 : memref<128xi32, #tpu.memory_space<vmem>>) target_semaphore(%run_scoped3A : memref<!tpu.dma_semaphore, #tpu.memory_space<semaphore_mem>>)
        %dma_wait3A = arith.constant 0 : i32
        %dma_wait3A_93 = tpu.memref_slice %arg9[%dma_wait3A] : memref<144xi32, #tpu.memory_space<vmem>> -> memref<128xi32, #tpu.memory_space<vmem>>
        %dma_wait3A_94 = tpu.memref_slice %arg4[%multiple_of3A_80] : memref<160000xi32, #tpu.memory_space<hbm>> -> memref<128xi32, #tpu.memory_space<hbm>>
        %dma_wait3A_95 = arith.constant 0 : i32
        %dma_wait3A_96 = tpu.memref_slice %arg9[%dma_wait3A_95] : memref<144xi32, #tpu.memory_space<vmem>> -> memref<128xi32, #tpu.memory_space<vmem>>
        %dma_wait3A_97 = tpu.memref_slice %arg4[%multiple_of3A_80] : memref<160000xi32, #tpu.memory_space<hbm>> -> memref<128xi32, #tpu.memory_space<hbm>>
        tpu.wait_dma2 semaphore(%run_scoped3A : memref<!tpu.dma_semaphore, #tpu.memory_space<semaphore_mem>>) src(%dma_wait3A_97 : memref<128xi32, #tpu.memory_space<hbm>>) dst(%dma_wait3A_96 : memref<128xi32, #tpu.memory_space<vmem>>)
        tpu.yield
      }) : () -> ()
      "tpu.region"() ({
        %run_scoped3A = tpu.sem_alloc : memref<!tpu.dma_semaphore, #tpu.memory_space<semaphore_mem>>
        %dma_start3A = arith.constant 0 : i32
        %dma_start3A_88 = arith.constant 0 : i32
        %dma_start3A_89 = tpu.memref_slice %arg5[%dma_start3A, %dma_start3A_88] : memref<10000x256xf32, #tpu.memory_space<hbm>> -> memref<10000x256xf32, #tpu.memory_space<hbm>>
        tpu.enqueue_indirect_dma source(%dma_start3A_89 : memref<10000x256xf32, #tpu.memory_space<hbm>>) target(%arg10 : memref<128x256xf32, #tpu.memory_space<vmem>>) offsets(%arg8 : memref<128xi32, #tpu.memory_space<vmem>>) semaphore(%run_scoped3A : memref<!tpu.dma_semaphore, #tpu.memory_space<semaphore_mem>>)
        %dma_wait3A = arith.constant 0 : i32
        %dma_wait3A_90 = arith.constant 0 : i32
        %dma_wait3A_91 = tpu.memref_slice %arg5[%dma_wait3A, %dma_wait3A_90] : memref<10000x256xf32, #tpu.memory_space<hbm>> -> memref<10000x256xf32, #tpu.memory_space<hbm>>
        tpu.wait_indirect_dma semaphore(%run_scoped3A : memref<!tpu.dma_semaphore, #tpu.memory_space<semaphore_mem>>) src(%dma_wait3A_91 : memref<10000x256xf32, #tpu.memory_space<hbm>>) dst(%arg10 : memref<128x256xf32, #tpu.memory_space<vmem>>)
        tpu.yield
      }) : () -> ()
      %scan3A_81 = arith.constant 0 : i32
      %scan3A_82 = arith.constant 0 : i32
      %scan3A_83 = arith.constant 128 : i32
      %scan3A_84 = arith.addi %scan3A_82, %scan3A_83 : i32
      %scan3A_85 = arith.constant 1 : i32
      %scan3A_86 = scf.for %scan3A_88 = %scan3A_82 to %scan3A_84 step %scan3A_85 iter_args(%scan3A_89 = %scan3A_81) -> (i32)  : i32 {
        %get3A_90 = arith.index_cast %scan3A_88 : i32 to index
        %get3A_91 = tpu.vector_load %arg9[%get3A_90] {strides = array<i32>} : memref<144xi32, #tpu.memory_space<vmem>>, vector<16xi32>,
        %get3A_92 = vector.shape_cast %get3A_91 : vector<16xi32> to vector<16xi32>
        %slice3A_93 = vector.extract_strided_slice %get3A_92 {offsets = [0], sizes = [1], strides = [1]} : vector<16xi32> to vector<1xi32>
        %squeeze3A_94 = vector.extract %slice3A_93[0] : i32 from vector<1xi32>
        %sub3A_95 = arith.subi %squeeze3A_94, %mul3A_2 : i32
        %ge3A = arith.constant 0 : i32
        %ge3A_96 = arith.cmpi sge, %sub3A_95, %ge3A : i32
        %lt3A_97 = arith.constant 320 : i32
        %lt3A_98 = arith.cmpi slt, %sub3A_95, %lt3A_97 : i32
        %and3A_99 = arith.andi %ge3A_96, %lt3A_98 : i1
        %jit3A_100 = arith.constant 320 : i32
        %select_n3A_101 = arith.select %and3A_99, %sub3A_95, %jit3A_100 : i32
        %get3A_102 = arith.index_cast %scan3A_88 : i32 to index
        %get3A_103 = arith.constant 0 : index
        %get3A_104 = tpu.vector_load %arg10[%get3A_102, %get3A_103] {strides = array<i32>} : memref<128x256xf32, #tpu.memory_space<vmem>>, vector<1x16xf32>,
        %get3A_105 = vector.shape_cast %get3A_104 : vector<1x16xf32> to vector<16xf32>
        %swap3A = arith.index_cast %select_n3A_101 : i32 to index
        %swap3A_106 = arith.constant 0 : index
        %swap3A_107 = tpu.vector_load %arg11[%swap3A, %swap3A_106] {strides = array<i32>} : memref<328x256xf32, #tpu.memory_space<vmem>>, vector<1x16xf32>,
        %swap3A_108 = vector.shape_cast %swap3A_107 : vector<1x16xf32> to vector<16xf32>
        %swap3A_109 = vector.shape_cast %get3A_105 : vector<16xf32> to vector<1x16xf32>
        tpu.vector_store %arg11[%swap3A, %swap3A_106], %swap3A_109 {add = true, strides = array<i32>} : memref<328x256xf32, #tpu.memory_space<vmem>>, vector<1x16xf32>,
        %get3A_110 = arith.index_cast %scan3A_88 : i32 to index
        %get3A_111 = arith.constant 16 : index
        %get3A_112 = tpu.vector_load %arg10[%get3A_110, %get3A_111] {strides = array<i32>} : memref<128x256xf32, #tpu.memory_space<vmem>>, vector<1x16xf32>,
        %get3A_113 = vector.shape_cast %get3A_112 : vector<1x16xf32> to vector<16xf32>
        %swap3A_114 = arith.index_cast %select_n3A_101 : i32 to index
        %swap3A_115 = arith.constant 16 : index
        %swap3A_116 = tpu.vector_load %arg11[%swap3A_114, %swap3A_115] {strides = array<i32>} : memref<328x256xf32, #tpu.memory_space<vmem>>, vector<1x16xf32>,
        %swap3A_117 = vector.shape_cast %swap3A_116 : vector<1x16xf32> to vector<16xf32>
        %swap3A_118 = vector.shape_cast %get3A_113 : vector<16xf32> to vector<1x16xf32>
        tpu.vector_store %arg11[%swap3A_114, %swap3A_115], %swap3A_118 {add = true, strides = array<i32>} : memref<328x256xf32, #tpu.memory_space<vmem>>, vector<1x16xf32>,
        %get3A_119 = arith.index_cast %scan3A_88 : i32 to index
        %get3A_120 = arith.constant 32 : index
        %get3A_121 = tpu.vector_load %arg10[%get3A_119, %get3A_120] {strides = array<i32>} : memref<128x256xf32, #tpu.memory_space<vmem>>, vector<1x16xf32>,
        %get3A_122 = vector.shape_cast %get3A_121 : vector<1x16xf32> to vector<16xf32>
        %swap3A_123 = arith.index_cast %select_n3A_101 : i32 to index
        %swap3A_124 = arith.constant 32 : index
        %swap3A_125 = tpu.vector_load %arg11[%swap3A_123, %swap3A_124] {strides = array<i32>} : memref<328x256xf32, #tpu.memory_space<vmem>>, vector<1x16xf32>,
        %swap3A_126 = vector.shape_cast %swap3A_125 : vector<1x16xf32> to vector<16xf32>
        %swap3A_127 = vector.shape_cast %get3A_122 : vector<16xf32> to vector<1x16xf32>
        tpu.vector_store %arg11[%swap3A_123, %swap3A_124], %swap3A_127 {add = true, strides = array<i32>} : memref<328x256xf32, #tpu.memory_space<vmem>>, vector<1x16xf32>,
        %get3A_128 = arith.index_cast %scan3A_88 : i32 to index
        %get3A_129 = arith.constant 48 : index
        %get3A_130 = tpu.vector_load %arg10[%get3A_128, %get3A_129] {strides = array<i32>} : memref<128x256xf32, #tpu.memory_space<vmem>>, vector<1x16xf32>,
        %get3A_131 = vector.shape_cast %get3A_130 : vector<1x16xf32> to vector<16xf32>
        %swap3A_132 = arith.index_cast %select_n3A_101 : i32 to index
        %swap3A_133 = arith.constant 48 : index
        %swap3A_134 = tpu.vector_load %arg11[%swap3A_132, %swap3A_133] {strides = array<i32>} : memref<328x256xf32, #tpu.memory_space<vmem>>, vector<1x16xf32>,
        %swap3A_135 = vector.shape_cast %swap3A_134 : vector<1x16xf32> to vector<16xf32>
        %swap3A_136 = vector.shape_cast %get3A_131 : vector<16xf32> to vector<1x16xf32>
        tpu.vector_store %arg11[%swap3A_132, %swap3A_133], %swap3A_136 {add = true, strides = array<i32>} : memref<328x256xf32, #tpu.memory_space<vmem>>, vector<1x16xf32>,
        %get3A_137 = arith.index_cast %scan3A_88 : i32 to index
        %get3A_138 = arith.constant 64 : index
        %get3A_139 = tpu.vector_load %arg10[%get3A_137, %get3A_138] {strides = array<i32>} : memref<128x256xf32, #tpu.memory_space<vmem>>, vector<1x16xf32>,
        %get3A_140 = vector.shape_cast %get3A_139 : vector<1x16xf32> to vector<16xf32>
        %swap3A_141 = arith.index_cast %select_n3A_101 : i32 to index
        %swap3A_142 = arith.constant 64 : index
        %swap3A_143 = tpu.vector_load %arg11[%swap3A_141, %swap3A_142] {strides = array<i32>} : memref<328x256xf32, #tpu.memory_space<vmem>>, vector<1x16xf32>,
        %swap3A_144 = vector.shape_cast %swap3A_143 : vector<1x16xf32> to vector<16xf32>
        %swap3A_145 = vector.shape_cast %get3A_140 : vector<16xf32> to vector<1x16xf32>
        tpu.vector_store %arg11[%swap3A_141, %swap3A_142], %swap3A_145 {add = true, strides = array<i32>} : memref<328x256xf32, #tpu.memory_space<vmem>>, vector<1x16xf32>,
        %get3A_146 = arith.index_cast %scan3A_88 : i32 to index
        %get3A_147 = arith.constant 80 : index
        %get3A_148 = tpu.vector_load %arg10[%get3A_146, %get3A_147] {strides = array<i32>} : memref<128x256xf32, #tpu.memory_space<vmem>>, vector<1x16xf32>,
        %get3A_149 = vector.shape_cast %get3A_148 : vector<1x16xf32> to vector<16xf32>
        %swap3A_150 = arith.index_cast %select_n3A_101 : i32 to index
        %swap3A_151 = arith.constant 80 : index
        %swap3A_152 = tpu.vector_load %arg11[%swap3A_150, %swap3A_151] {strides = array<i32>} : memref<328x256xf32, #tpu.memory_space<vmem>>, vector<1x16xf32>,
        %swap3A_153 = vector.shape_cast %swap3A_152 : vector<1x16xf32> to vector<16xf32>
        %swap3A_154 = vector.shape_cast %get3A_149 : vector<16xf32> to vector<1x16xf32>
        tpu.vector_store %arg11[%swap3A_150, %swap3A_151], %swap3A_154 {add = true, strides = array<i32>} : memref<328x256xf32, #tpu.memory_space<vmem>>, vector<1x16xf32>,
        %get3A_155 = arith.index_cast %scan3A_88 : i32 to index
        %get3A_156 = arith.constant 96 : index
        %get3A_157 = tpu.vector_load %arg10[%get3A_155, %get3A_156] {strides = array<i32>} : memref<128x256xf32, #tpu.memory_space<vmem>>, vector<1x16xf32>,
        %get3A_158 = vector.shape_cast %get3A_157 : vector<1x16xf32> to vector<16xf32>
        %swap3A_159 = arith.index_cast %select_n3A_101 : i32 to index
        %swap3A_160 = arith.constant 96 : index
        %swap3A_161 = tpu.vector_load %arg11[%swap3A_159, %swap3A_160] {strides = array<i32>} : memref<328x256xf32, #tpu.memory_space<vmem>>, vector<1x16xf32>,
        %swap3A_162 = vector.shape_cast %swap3A_161 : vector<1x16xf32> to vector<16xf32>
        %swap3A_163 = vector.shape_cast %get3A_158 : vector<16xf32> to vector<1x16xf32>
        tpu.vector_store %arg11[%swap3A_159, %swap3A_160], %swap3A_163 {add = true, strides = array<i32>} : memref<328x256xf32, #tpu.memory_space<vmem>>, vector<1x16xf32>,
        %get3A_164 = arith.index_cast %scan3A_88 : i32 to index
        %get3A_165 = arith.constant 112 : index
        %get3A_166 = tpu.vector_load %arg10[%get3A_164, %get3A_165] {strides = array<i32>} : memref<128x256xf32, #tpu.memory_space<vmem>>, vector<1x16xf32>,
        %get3A_167 = vector.shape_cast %get3A_166 : vector<1x16xf32> to vector<16xf32>
        %swap3A_168 = arith.index_cast %select_n3A_101 : i32 to index
        %swap3A_169 = arith.constant 112 : index
        %swap3A_170 = tpu.vector_load %arg11[%swap3A_168, %swap3A_169] {strides = array<i32>} : memref<328x256xf32, #tpu.memory_space<vmem>>, vector<1x16xf32>,
        %swap3A_171 = vector.shape_cast %swap3A_170 : vector<1x16xf32> to vector<16xf32>
        %swap3A_172 = vector.shape_cast %get3A_167 : vector<16xf32> to vector<1x16xf32>
        tpu.vector_store %arg11[%swap3A_168, %swap3A_169], %swap3A_172 {add = true, strides = array<i32>} : memref<328x256xf32, #tpu.memory_space<vmem>>, vector<1x16xf32>,
        %get3A_173 = arith.index_cast %scan3A_88 : i32 to index
        %get3A_174 = arith.constant 128 : index
        %get3A_175 = tpu.vector_load %arg10[%get3A_173, %get3A_174] {strides = array<i32>} : memref<128x256xf32, #tpu.memory_space<vmem>>, vector<1x16xf32>,
        %get3A_176 = vector.shape_cast %get3A_175 : vector<1x16xf32> to vector<16xf32>
        %swap3A_177 = arith.index_cast %select_n3A_101 : i32 to index
        %swap3A_178 = arith.constant 128 : index
        %swap3A_179 = tpu.vector_load %arg11[%swap3A_177, %swap3A_178] {strides = array<i32>} : memref<328x256xf32, #tpu.memory_space<vmem>>, vector<1x16xf32>,
        %swap3A_180 = vector.shape_cast %swap3A_179 : vector<1x16xf32> to vector<16xf32>
        %swap3A_181 = vector.shape_cast %get3A_176 : vector<16xf32> to vector<1x16xf32>
        tpu.vector_store %arg11[%swap3A_177, %swap3A_178], %swap3A_181 {add = true, strides = array<i32>} : memref<328x256xf32, #tpu.memory_space<vmem>>, vector<1x16xf32>,
        %get3A_182 = arith.index_cast %scan3A_88 : i32 to index
        %get3A_183 = arith.constant 144 : index
        %get3A_184 = tpu.vector_load %arg10[%get3A_182, %get3A_183] {strides = array<i32>} : memref<128x256xf32, #tpu.memory_space<vmem>>, vector<1x16xf32>,
        %get3A_185 = vector.shape_cast %get3A_184 : vector<1x16xf32> to vector<16xf32>
        %swap3A_186 = arith.index_cast %select_n3A_101 : i32 to index
        %swap3A_187 = arith.constant 144 : index
        %swap3A_188 = tpu.vector_load %arg11[%swap3A_186, %swap3A_187] {strides = array<i32>} : memref<328x256xf32, #tpu.memory_space<vmem>>, vector<1x16xf32>,
        %swap3A_189 = vector.shape_cast %swap3A_188 : vector<1x16xf32> to vector<16xf32>
        %swap3A_190 = vector.shape_cast %get3A_185 : vector<16xf32> to vector<1x16xf32>
        tpu.vector_store %arg11[%swap3A_186, %swap3A_187], %swap3A_190 {add = true, strides = array<i32>} : memref<328x256xf32, #tpu.memory_space<vmem>>, vector<1x16xf32>,
        %get3A_191 = arith.index_cast %scan3A_88 : i32 to index
        %get3A_192 = arith.constant 160 : index
        %get3A_193 = tpu.vector_load %arg10[%get3A_191, %get3A_192] {strides = array<i32>} : memref<128x256xf32, #tpu.memory_space<vmem>>, vector<1x16xf32>,
        %get3A_194 = vector.shape_cast %get3A_193 : vector<1x16xf32> to vector<16xf32>
        %swap3A_195 = arith.index_cast %select_n3A_101 : i32 to index
        %swap3A_196 = arith.constant 160 : index
        %swap3A_197 = tpu.vector_load %arg11[%swap3A_195, %swap3A_196] {strides = array<i32>} : memref<328x256xf32, #tpu.memory_space<vmem>>, vector<1x16xf32>,
        %swap3A_198 = vector.shape_cast %swap3A_197 : vector<1x16xf32> to vector<16xf32>
        %swap3A_199 = vector.shape_cast %get3A_194 : vector<16xf32> to vector<1x16xf32>
        tpu.vector_store %arg11[%swap3A_195, %swap3A_196], %swap3A_199 {add = true, strides = array<i32>} : memref<328x256xf32, #tpu.memory_space<vmem>>, vector<1x16xf32>,
        %get3A_200 = arith.index_cast %scan3A_88 : i32 to index
        %get3A_201 = arith.constant 176 : index
        %get3A_202 = tpu.vector_load %arg10[%get3A_200, %get3A_201] {strides = array<i32>} : memref<128x256xf32, #tpu.memory_space<vmem>>, vector<1x16xf32>,
        %get3A_203 = vector.shape_cast %get3A_202 : vector<1x16xf32> to vector<16xf32>
        %swap3A_204 = arith.index_cast %select_n3A_101 : i32 to index
        %swap3A_205 = arith.constant 176 : index
        %swap3A_206 = tpu.vector_load %arg11[%swap3A_204, %swap3A_205] {strides = array<i32>} : memref<328x256xf32, #tpu.memory_space<vmem>>, vector<1x16xf32>,
        %swap3A_207 = vector.shape_cast %swap3A_206 : vector<1x16xf32> to vector<16xf32>
        %swap3A_208 = vector.shape_cast %get3A_203 : vector<16xf32> to vector<1x16xf32>
        tpu.vector_store %arg11[%swap3A_204, %swap3A_205], %swap3A_208 {add = true, strides = array<i32>} : memref<328x256xf32, #tpu.memory_space<vmem>>, vector<1x16xf32>,
        %get3A_209 = arith.index_cast %scan3A_88 : i32 to index
        %get3A_210 = arith.constant 192 : index
        %get3A_211 = tpu.vector_load %arg10[%get3A_209, %get3A_210] {strides = array<i32>} : memref<128x256xf32, #tpu.memory_space<vmem>>, vector<1x16xf32>,
        %get3A_212 = vector.shape_cast %get3A_211 : vector<1x16xf32> to vector<16xf32>
        %swap3A_213 = arith.index_cast %select_n3A_101 : i32 to index
        %swap3A_214 = arith.constant 192 : index
        %swap3A_215 = tpu.vector_load %arg11[%swap3A_213, %swap3A_214] {strides = array<i32>} : memref<328x256xf32, #tpu.memory_space<vmem>>, vector<1x16xf32>,
        %swap3A_216 = vector.shape_cast %swap3A_215 : vector<1x16xf32> to vector<16xf32>
        %swap3A_217 = vector.shape_cast %get3A_212 : vector<16xf32> to vector<1x16xf32>
        tpu.vector_store %arg11[%swap3A_213, %swap3A_214], %swap3A_217 {add = true, strides = array<i32>} : memref<328x256xf32, #tpu.memory_space<vmem>>, vector<1x16xf32>,
        %get3A_218 = arith.index_cast %scan3A_88 : i32 to index
        %get3A_219 = arith.constant 208 : index
        %get3A_220 = tpu.vector_load %arg10[%get3A_218, %get3A_219] {strides = array<i32>} : memref<128x256xf32, #tpu.memory_space<vmem>>, vector<1x16xf32>,
        %get3A_221 = vector.shape_cast %get3A_220 : vector<1x16xf32> to vector<16xf32>
        %swap3A_222 = arith.index_cast %select_n3A_101 : i32 to index
        %swap3A_223 = arith.constant 208 : index
        %swap3A_224 = tpu.vector_load %arg11[%swap3A_222, %swap3A_223] {strides = array<i32>} : memref<328x256xf32, #tpu.memory_space<vmem>>, vector<1x16xf32>,
        %swap3A_225 = vector.shape_cast %swap3A_224 : vector<1x16xf32> to vector<16xf32>
        %swap3A_226 = vector.shape_cast %get3A_221 : vector<16xf32> to vector<1x16xf32>
        tpu.vector_store %arg11[%swap3A_222, %swap3A_223], %swap3A_226 {add = true, strides = array<i32>} : memref<328x256xf32, #tpu.memory_space<vmem>>, vector<1x16xf32>,
        %get3A_227 = arith.index_cast %scan3A_88 : i32 to index
        %get3A_228 = arith.constant 224 : index
        %get3A_229 = tpu.vector_load %arg10[%get3A_227, %get3A_228] {strides = array<i32>} : memref<128x256xf32, #tpu.memory_space<vmem>>, vector<1x16xf32>,
        %get3A_230 = vector.shape_cast %get3A_229 : vector<1x16xf32> to vector<16xf32>
        %swap3A_231 = arith.index_cast %select_n3A_101 : i32 to index
        %swap3A_232 = arith.constant 224 : index
        %swap3A_233 = tpu.vector_load %arg11[%swap3A_231, %swap3A_232] {strides = array<i32>} : memref<328x256xf32, #tpu.memory_space<vmem>>, vector<1x16xf32>,
        %swap3A_234 = vector.shape_cast %swap3A_233 : vector<1x16xf32> to vector<16xf32>
        %swap3A_235 = vector.shape_cast %get3A_230 : vector<16xf32> to vector<1x16xf32>
        tpu.vector_store %arg11[%swap3A_231, %swap3A_232], %swap3A_235 {add = true, strides = array<i32>} : memref<328x256xf32, #tpu.memory_space<vmem>>, vector<1x16xf32>,
        %get3A_236 = arith.index_cast %scan3A_88 : i32 to index
        %get3A_237 = arith.constant 240 : index
        %get3A_238 = tpu.vector_load %arg10[%get3A_236, %get3A_237] {strides = array<i32>} : memref<128x256xf32, #tpu.memory_space<vmem>>, vector<1x16xf32>,
        %get3A_239 = vector.shape_cast %get3A_238 : vector<1x16xf32> to vector<16xf32>
        %swap3A_240 = arith.index_cast %select_n3A_101 : i32 to index
        %swap3A_241 = arith.constant 240 : index
        %swap3A_242 = tpu.vector_load %arg11[%swap3A_240, %swap3A_241] {strides = array<i32>} : memref<328x256xf32, #tpu.memory_space<vmem>>, vector<1x16xf32>,
        %swap3A_243 = vector.shape_cast %swap3A_242 : vector<1x16xf32> to vector<16xf32>
        %swap3A_244 = vector.shape_cast %get3A_239 : vector<16xf32> to vector<1x16xf32>
        tpu.vector_store %arg11[%swap3A_240, %swap3A_241], %swap3A_244 {add = true, strides = array<i32>} : memref<328x256xf32, #tpu.memory_space<vmem>>, vector<1x16xf32>,
        %scan3A_245 = arith.constant 0 : i32
        scf.yield %scan3A_245 : i32
      }
      %scan3A_87 = arith.constant 128 : i32
      scf.yield %scan3A_86 : i32
    }
    %while3A_66 = arith.constant 1 : i32
    %while3A_67 = scf.for %while3A_76 = %while3A_63 to %while3A_59 step %while3A_66 iter_args(%while3A_77 = %while3A_65) -> (i32)  : i32 {
      %mul3A_78 = arith.constant 128 : i32
      %mul3A_79 = arith.muli %while3A_76, %mul3A_78 : i32
      %multiple_of3A_80 = tpu.assume_multiple %mul3A_79, 128 : i32
      "tpu.region"() ({
        %run_scoped3A = tpu.sem_alloc : memref<!tpu.dma_semaphore, #tpu.memory_space<semaphore_mem>>
        %dma_start3A = tpu.memref_slice %arg3[%multiple_of3A_80] : memref<160000xi32, #tpu.memory_space<hbm>> -> memref<128xi32, #tpu.memory_space<hbm>>
        %dma_start3A_88 = tpu.memref_slice %arg3[%multiple_of3A_80] : memref<160000xi32, #tpu.memory_space<hbm>> -> memref<128xi32, #tpu.memory_space<hbm>>
        tpu.enqueue_dma source(%dma_start3A_88 : memref<128xi32, #tpu.memory_space<hbm>>) target(%arg8 : memref<128xi32, #tpu.memory_space<vmem>>) target_semaphore(%run_scoped3A : memref<!tpu.dma_semaphore, #tpu.memory_space<semaphore_mem>>)
        %dma_wait3A = tpu.memref_slice %arg3[%multiple_of3A_80] : memref<160000xi32, #tpu.memory_space<hbm>> -> memref<128xi32, #tpu.memory_space<hbm>>
        %dma_wait3A_89 = tpu.memref_slice %arg3[%multiple_of3A_80] : memref<160000xi32, #tpu.memory_space<hbm>> -> memref<128xi32, #tpu.memory_space<hbm>>
        tpu.wait_dma2 semaphore(%run_scoped3A : memref<!tpu.dma_semaphore, #tpu.memory_space<semaphore_mem>>) src(%dma_wait3A_89 : memref<128xi32, #tpu.memory_space<hbm>>) dst(%arg8 : memref<128xi32, #tpu.memory_space<vmem>>)
        tpu.yield
      }) : () -> ()
      "tpu.region"() ({
        %run_scoped3A = tpu.sem_alloc : memref<!tpu.dma_semaphore, #tpu.memory_space<semaphore_mem>>
        %dma_start3A = arith.constant 0 : i32
        %dma_start3A_88 = tpu.memref_slice %arg9[%dma_start3A] : memref<144xi32, #tpu.memory_space<vmem>> -> memref<128xi32, #tpu.memory_space<vmem>>
        %dma_start3A_89 = tpu.memref_slice %arg4[%multiple_of3A_80] : memref<160000xi32, #tpu.memory_space<hbm>> -> memref<128xi32, #tpu.memory_space<hbm>>
        %dma_start3A_90 = arith.constant 0 : i32
        %dma_start3A_91 = tpu.memref_slice %arg9[%dma_start3A_90] : memref<144xi32, #tpu.memory_space<vmem>> -> memref<128xi32, #tpu.memory_space<vmem>>
        %dma_start3A_92 = tpu.memref_slice %arg4[%multiple_of3A_80] : memref<160000xi32, #tpu.memory_space<hbm>> -> memref<128xi32, #tpu.memory_space<hbm>>
        tpu.enqueue_dma source(%dma_start3A_92 : memref<128xi32, #tpu.memory_space<hbm>>) target(%dma_start3A_91 : memref<128xi32, #tpu.memory_space<vmem>>) target_semaphore(%run_scoped3A : memref<!tpu.dma_semaphore, #tpu.memory_space<semaphore_mem>>)
        %dma_wait3A = arith.constant 0 : i32
        %dma_wait3A_93 = tpu.memref_slice %arg9[%dma_wait3A] : memref<144xi32, #tpu.memory_space<vmem>> -> memref<128xi32, #tpu.memory_space<vmem>>
        %dma_wait3A_94 = tpu.memref_slice %arg4[%multiple_of3A_80] : memref<160000xi32, #tpu.memory_space<hbm>> -> memref<128xi32, #tpu.memory_space<hbm>>
        %dma_wait3A_95 = arith.constant 0 : i32
        %dma_wait3A_96 = tpu.memref_slice %arg9[%dma_wait3A_95] : memref<144xi32, #tpu.memory_space<vmem>> -> memref<128xi32, #tpu.memory_space<vmem>>
        %dma_wait3A_97 = tpu.memref_slice %arg4[%multiple_of3A_80] : memref<160000xi32, #tpu.memory_space<hbm>> -> memref<128xi32, #tpu.memory_space<hbm>>
        tpu.wait_dma2 semaphore(%run_scoped3A : memref<!tpu.dma_semaphore, #tpu.memory_space<semaphore_mem>>) src(%dma_wait3A_97 : memref<128xi32, #tpu.memory_space<hbm>>) dst(%dma_wait3A_96 : memref<128xi32, #tpu.memory_space<vmem>>)
        tpu.yield
      }) : () -> ()
      "tpu.region"() ({
        %run_scoped3A = tpu.sem_alloc : memref<!tpu.dma_semaphore, #tpu.memory_space<semaphore_mem>>
        %dma_start3A = arith.constant 0 : i32
        %dma_start3A_88 = arith.constant 0 : i32
        %dma_start3A_89 = tpu.memref_slice %arg5[%dma_start3A, %dma_start3A_88] : memref<10000x256xf32, #tpu.memory_space<hbm>> -> memref<10000x256xf32, #tpu.memory_space<hbm>>
        tpu.enqueue_indirect_dma source(%dma_start3A_89 : memref<10000x256xf32, #tpu.memory_space<hbm>>) target(%arg10 : memref<128x256xf32, #tpu.memory_space<vmem>>) offsets(%arg8 : memref<128xi32, #tpu.memory_space<vmem>>) semaphore(%run_scoped3A : memref<!tpu.dma_semaphore, #tpu.memory_space<semaphore_mem>>)
        %dma_wait3A = arith.constant 0 : i32
        %dma_wait3A_90 = arith.constant 0 : i32
        %dma_wait3A_91 = tpu.memref_slice %arg5[%dma_wait3A, %dma_wait3A_90] : memref<10000x256xf32, #tpu.memory_space<hbm>> -> memref<10000x256xf32, #tpu.memory_space<hbm>>
        tpu.wait_indirect_dma semaphore(%run_scoped3A : memref<!tpu.dma_semaphore, #tpu.memory_space<semaphore_mem>>) src(%dma_wait3A_91 : memref<10000x256xf32, #tpu.memory_space<hbm>>) dst(%arg10 : memref<128x256xf32, #tpu.memory_space<vmem>>)
        tpu.yield
      }) : () -> ()
      %scan3A_81 = arith.constant 0 : i32
      %scan3A_82 = arith.constant 0 : i32
      %scan3A_83 = arith.constant 128 : i32
      %scan3A_84 = arith.addi %scan3A_82, %scan3A_83 : i32
      %scan3A_85 = arith.constant 1 : i32
      %scan3A_86 = scf.for %scan3A_88 = %scan3A_82 to %scan3A_84 step %scan3A_85 iter_args(%scan3A_89 = %scan3A_81) -> (i32)  : i32 {
        %get3A_90 = arith.index_cast %scan3A_88 : i32 to index
        %get3A_91 = tpu.vector_load %arg9[%get3A_90] {strides = array<i32>} : memref<144xi32, #tpu.memory_space<vmem>>, vector<16xi32>,
        %get3A_92 = vector.shape_cast %get3A_91 : vector<16xi32> to vector<16xi32>
        %slice3A_93 = vector.extract_strided_slice %get3A_92 {offsets = [0], sizes = [1], strides = [1]} : vector<16xi32> to vector<1xi32>
        %squeeze3A_94 = vector.extract %slice3A_93[0] : i32 from vector<1xi32>
        %sub3A_95 = arith.subi %squeeze3A_94, %mul3A_2 : i32
        %ge3A = arith.constant 0 : i32
        %ge3A_96 = arith.cmpi sge, %sub3A_95, %ge3A : i32
        %lt3A_97 = arith.constant 320 : i32
        %lt3A_98 = arith.cmpi slt, %sub3A_95, %lt3A_97 : i32
        %and3A_99 = arith.andi %ge3A_96, %lt3A_98 : i1
        %jit3A_100 = arith.constant 320 : i32
        %select_n3A_101 = arith.select %and3A_99, %sub3A_95, %jit3A_100 : i32
        %get3A_102 = arith.index_cast %scan3A_88 : i32 to index
        %get3A_103 = arith.constant 0 : index
        %get3A_104 = tpu.vector_load %arg10[%get3A_102, %get3A_103] {strides = array<i32>} : memref<128x256xf32, #tpu.memory_space<vmem>>, vector<1x16xf32>,
        %get3A_105 = vector.shape_cast %get3A_104 : vector<1x16xf32> to vector<16xf32>
        %swap3A = arith.index_cast %select_n3A_101 : i32 to index
        %swap3A_106 = arith.constant 0 : index
        %swap3A_107 = tpu.vector_load %arg11[%swap3A, %swap3A_106] {strides = array<i32>} : memref<328x256xf32, #tpu.memory_space<vmem>>, vector<1x16xf32>,
        %swap3A_108 = vector.shape_cast %swap3A_107 : vector<1x16xf32> to vector<16xf32>
        %swap3A_109 = vector.shape_cast %get3A_105 : vector<16xf32> to vector<1x16xf32>
        tpu.vector_store %arg11[%swap3A, %swap3A_106], %swap3A_109 {add = true, strides = array<i32>} : memref<328x256xf32, #tpu.memory_space<vmem>>, vector<1x16xf32>,
        %get3A_110 = arith.index_cast %scan3A_88 : i32 to index
        %get3A_111 = arith.constant 16 : index
        %get3A_112 = tpu.vector_load %arg10[%get3A_110, %get3A_111] {strides = array<i32>} : memref<128x256xf32, #tpu.memory_space<vmem>>, vector<1x16xf32>,
        %get3A_113 = vector.shape_cast %get3A_112 : vector<1x16xf32> to vector<16xf32>
        %swap3A_114 = arith.index_cast %select_n3A_101 : i32 to index
        %swap3A_115 = arith.constant 16 : index
        %swap3A_116 = tpu.vector_load %arg11[%swap3A_114, %swap3A_115] {strides = array<i32>} : memref<328x256xf32, #tpu.memory_space<vmem>>, vector<1x16xf32>,
        %swap3A_117 = vector.shape_cast %swap3A_116 : vector<1x16xf32> to vector<16xf32>
        %swap3A_118 = vector.shape_cast %get3A_113 : vector<16xf32> to vector<1x16xf32>
        tpu.vector_store %arg11[%swap3A_114, %swap3A_115], %swap3A_118 {add = true, strides = array<i32>} : memref<328x256xf32, #tpu.memory_space<vmem>>, vector<1x16xf32>,
        %get3A_119 = arith.index_cast %scan3A_88 : i32 to index
        %get3A_120 = arith.constant 32 : index
        %get3A_121 = tpu.vector_load %arg10[%get3A_119, %get3A_120] {strides = array<i32>} : memref<128x256xf32, #tpu.memory_space<vmem>>, vector<1x16xf32>,
        %get3A_122 = vector.shape_cast %get3A_121 : vector<1x16xf32> to vector<16xf32>
        %swap3A_123 = arith.index_cast %select_n3A_101 : i32 to index
        %swap3A_124 = arith.constant 32 : index
        %swap3A_125 = tpu.vector_load %arg11[%swap3A_123, %swap3A_124] {strides = array<i32>} : memref<328x256xf32, #tpu.memory_space<vmem>>, vector<1x16xf32>,
        %swap3A_126 = vector.shape_cast %swap3A_125 : vector<1x16xf32> to vector<16xf32>
        %swap3A_127 = vector.shape_cast %get3A_122 : vector<16xf32> to vector<1x16xf32>
        tpu.vector_store %arg11[%swap3A_123, %swap3A_124], %swap3A_127 {add = true, strides = array<i32>} : memref<328x256xf32, #tpu.memory_space<vmem>>, vector<1x16xf32>,
        %get3A_128 = arith.index_cast %scan3A_88 : i32 to index
        %get3A_129 = arith.constant 48 : index
        %get3A_130 = tpu.vector_load %arg10[%get3A_128, %get3A_129] {strides = array<i32>} : memref<128x256xf32, #tpu.memory_space<vmem>>, vector<1x16xf32>,
        %get3A_131 = vector.shape_cast %get3A_130 : vector<1x16xf32> to vector<16xf32>
        %swap3A_132 = arith.index_cast %select_n3A_101 : i32 to index
        %swap3A_133 = arith.constant 48 : index
        %swap3A_134 = tpu.vector_load %arg11[%swap3A_132, %swap3A_133] {strides = array<i32>} : memref<328x256xf32, #tpu.memory_space<vmem>>, vector<1x16xf32>,
        %swap3A_135 = vector.shape_cast %swap3A_134 : vector<1x16xf32> to vector<16xf32>
        %swap3A_136 = vector.shape_cast %get3A_131 : vector<16xf32> to vector<1x16xf32>
        tpu.vector_store %arg11[%swap3A_132, %swap3A_133], %swap3A_136 {add = true, strides = array<i32>} : memref<328x256xf32, #tpu.memory_space<vmem>>, vector<1x16xf32>,
        %get3A_137 = arith.index_cast %scan3A_88 : i32 to index
        %get3A_138 = arith.constant 64 : index
        %get3A_139 = tpu.vector_load %arg10[%get3A_137, %get3A_138] {strides = array<i32>} : memref<128x256xf32, #tpu.memory_space<vmem>>, vector<1x16xf32>,
        %get3A_140 = vector.shape_cast %get3A_139 : vector<1x16xf32> to vector<16xf32>
        %swap3A_141 = arith.index_cast %select_n3A_101 : i32 to index
        %swap3A_142 = arith.constant 64 : index
        %swap3A_143 = tpu.vector_load %arg11[%swap3A_141, %swap3A_142] {strides = array<i32>} : memref<328x256xf32, #tpu.memory_space<vmem>>, vector<1x16xf32>,
        %swap3A_144 = vector.shape_cast %swap3A_143 : vector<1x16xf32> to vector<16xf32>
        %swap3A_145 = vector.shape_cast %get3A_140 : vector<16xf32> to vector<1x16xf32>
        tpu.vector_store %arg11[%swap3A_141, %swap3A_142], %swap3A_145 {add = true, strides = array<i32>} : memref<328x256xf32, #tpu.memory_space<vmem>>, vector<1x16xf32>,
        %get3A_146 = arith.index_cast %scan3A_88 : i32 to index
        %get3A_147 = arith.constant 80 : index
        %get3A_148 = tpu.vector_load %arg10[%get3A_146, %get3A_147] {strides = array<i32>} : memref<128x256xf32, #tpu.memory_space<vmem>>, vector<1x16xf32>,
        %get3A_149 = vector.shape_cast %get3A_148 : vector<1x16xf32> to vector<16xf32>
        %swap3A_150 = arith.index_cast %select_n3A_101 : i32 to index
        %swap3A_151 = arith.constant 80 : index
        %swap3A_152 = tpu.vector_load %arg11[%swap3A_150, %swap3A_151] {strides = array<i32>} : memref<328x256xf32, #tpu.memory_space<vmem>>, vector<1x16xf32>,
        %swap3A_153 = vector.shape_cast %swap3A_152 : vector<1x16xf32> to vector<16xf32>
        %swap3A_154 = vector.shape_cast %get3A_149 : vector<16xf32> to vector<1x16xf32>
        tpu.vector_store %arg11[%swap3A_150, %swap3A_151], %swap3A_154 {add = true, strides = array<i32>} : memref<328x256xf32, #tpu.memory_space<vmem>>, vector<1x16xf32>,
        %get3A_155 = arith.index_cast %scan3A_88 : i32 to index
        %get3A_156 = arith.constant 96 : index
        %get3A_157 = tpu.vector_load %arg10[%get3A_155, %get3A_156] {strides = array<i32>} : memref<128x256xf32, #tpu.memory_space<vmem>>, vector<1x16xf32>,
        %get3A_158 = vector.shape_cast %get3A_157 : vector<1x16xf32> to vector<16xf32>
        %swap3A_159 = arith.index_cast %select_n3A_101 : i32 to index
        %swap3A_160 = arith.constant 96 : index
        %swap3A_161 = tpu.vector_load %arg11[%swap3A_159, %swap3A_160] {strides = array<i32>} : memref<328x256xf32, #tpu.memory_space<vmem>>, vector<1x16xf32>,
        %swap3A_162 = vector.shape_cast %swap3A_161 : vector<1x16xf32> to vector<16xf32>
        %swap3A_163 = vector.shape_cast %get3A_158 : vector<16xf32> to vector<1x16xf32>
        tpu.vector_store %arg11[%swap3A_159, %swap3A_160], %swap3A_163 {add = true, strides = array<i32>} : memref<328x256xf32, #tpu.memory_space<vmem>>, vector<1x16xf32>,
        %get3A_164 = arith.index_cast %scan3A_88 : i32 to index
        %get3A_165 = arith.constant 112 : index
        %get3A_166 = tpu.vector_load %arg10[%get3A_164, %get3A_165] {strides = array<i32>} : memref<128x256xf32, #tpu.memory_space<vmem>>, vector<1x16xf32>,
        %get3A_167 = vector.shape_cast %get3A_166 : vector<1x16xf32> to vector<16xf32>
        %swap3A_168 = arith.index_cast %select_n3A_101 : i32 to index
        %swap3A_169 = arith.constant 112 : index
        %swap3A_170 = tpu.vector_load %arg11[%swap3A_168, %swap3A_169] {strides = array<i32>} : memref<328x256xf32, #tpu.memory_space<vmem>>, vector<1x16xf32>,
        %swap3A_171 = vector.shape_cast %swap3A_170 : vector<1x16xf32> to vector<16xf32>
        %swap3A_172 = vector.shape_cast %get3A_167 : vector<16xf32> to vector<1x16xf32>
        tpu.vector_store %arg11[%swap3A_168, %swap3A_169], %swap3A_172 {add = true, strides = array<i32>} : memref<328x256xf32, #tpu.memory_space<vmem>>, vector<1x16xf32>,
        %get3A_173 = arith.index_cast %scan3A_88 : i32 to index
        %get3A_174 = arith.constant 128 : index
        %get3A_175 = tpu.vector_load %arg10[%get3A_173, %get3A_174] {strides = array<i32>} : memref<128x256xf32, #tpu.memory_space<vmem>>, vector<1x16xf32>,
        %get3A_176 = vector.shape_cast %get3A_175 : vector<1x16xf32> to vector<16xf32>
        %swap3A_177 = arith.index_cast %select_n3A_101 : i32 to index
        %swap3A_178 = arith.constant 128 : index
        %swap3A_179 = tpu.vector_load %arg11[%swap3A_177, %swap3A_178] {strides = array<i32>} : memref<328x256xf32, #tpu.memory_space<vmem>>, vector<1x16xf32>,
        %swap3A_180 = vector.shape_cast %swap3A_179 : vector<1x16xf32> to vector<16xf32>
        %swap3A_181 = vector.shape_cast %get3A_176 : vector<16xf32> to vector<1x16xf32>
        tpu.vector_store %arg11[%swap3A_177, %swap3A_178], %swap3A_181 {add = true, strides = array<i32>} : memref<328x256xf32, #tpu.memory_space<vmem>>, vector<1x16xf32>,
        %get3A_182 = arith.index_cast %scan3A_88 : i32 to index
        %get3A_183 = arith.constant 144 : index
        %get3A_184 = tpu.vector_load %arg10[%get3A_182, %get3A_183] {strides = array<i32>} : memref<128x256xf32, #tpu.memory_space<vmem>>, vector<1x16xf32>,
        %get3A_185 = vector.shape_cast %get3A_184 : vector<1x16xf32> to vector<16xf32>
        %swap3A_186 = arith.index_cast %select_n3A_101 : i32 to index
        %swap3A_187 = arith.constant 144 : index
        %swap3A_188 = tpu.vector_load %arg11[%swap3A_186, %swap3A_187] {strides = array<i32>} : memref<328x256xf32, #tpu.memory_space<vmem>>, vector<1x16xf32>,
        %swap3A_189 = vector.shape_cast %swap3A_188 : vector<1x16xf32> to vector<16xf32>
        %swap3A_190 = vector.shape_cast %get3A_185 : vector<16xf32> to vector<1x16xf32>
        tpu.vector_store %arg11[%swap3A_186, %swap3A_187], %swap3A_190 {add = true, strides = array<i32>} : memref<328x256xf32, #tpu.memory_space<vmem>>, vector<1x16xf32>,
        %get3A_191 = arith.index_cast %scan3A_88 : i32 to index
        %get3A_192 = arith.constant 160 : index
        %get3A_193 = tpu.vector_load %arg10[%get3A_191, %get3A_192] {strides = array<i32>} : memref<128x256xf32, #tpu.memory_space<vmem>>, vector<1x16xf32>,
        %get3A_194 = vector.shape_cast %get3A_193 : vector<1x16xf32> to vector<16xf32>
        %swap3A_195 = arith.index_cast %select_n3A_101 : i32 to index
        %swap3A_196 = arith.constant 160 : index
        %swap3A_197 = tpu.vector_load %arg11[%swap3A_195, %swap3A_196] {strides = array<i32>} : memref<328x256xf32, #tpu.memory_space<vmem>>, vector<1x16xf32>,
        %swap3A_198 = vector.shape_cast %swap3A_197 : vector<1x16xf32> to vector<16xf32>
        %swap3A_199 = vector.shape_cast %get3A_194 : vector<16xf32> to vector<1x16xf32>
        tpu.vector_store %arg11[%swap3A_195, %swap3A_196], %swap3A_199 {add = true, strides = array<i32>} : memref<328x256xf32, #tpu.memory_space<vmem>>, vector<1x16xf32>,
        %get3A_200 = arith.index_cast %scan3A_88 : i32 to index
        %get3A_201 = arith.constant 176 : index
        %get3A_202 = tpu.vector_load %arg10[%get3A_200, %get3A_201] {strides = array<i32>} : memref<128x256xf32, #tpu.memory_space<vmem>>, vector<1x16xf32>,
        %get3A_203 = vector.shape_cast %get3A_202 : vector<1x16xf32> to vector<16xf32>
        %swap3A_204 = arith.index_cast %select_n3A_101 : i32 to index
        %swap3A_205 = arith.constant 176 : index
        %swap3A_206 = tpu.vector_load %arg11[%swap3A_204, %swap3A_205] {strides = array<i32>} : memref<328x256xf32, #tpu.memory_space<vmem>>, vector<1x16xf32>,
        %swap3A_207 = vector.shape_cast %swap3A_206 : vector<1x16xf32> to vector<16xf32>
        %swap3A_208 = vector.shape_cast %get3A_203 : vector<16xf32> to vector<1x16xf32>
        tpu.vector_store %arg11[%swap3A_204, %swap3A_205], %swap3A_208 {add = true, strides = array<i32>} : memref<328x256xf32, #tpu.memory_space<vmem>>, vector<1x16xf32>,
        %get3A_209 = arith.index_cast %scan3A_88 : i32 to index
        %get3A_210 = arith.constant 192 : index
        %get3A_211 = tpu.vector_load %arg10[%get3A_209, %get3A_210] {strides = array<i32>} : memref<128x256xf32, #tpu.memory_space<vmem>>, vector<1x16xf32>,
        %get3A_212 = vector.shape_cast %get3A_211 : vector<1x16xf32> to vector<16xf32>
        %swap3A_213 = arith.index_cast %select_n3A_101 : i32 to index
        %swap3A_214 = arith.constant 192 : index
        %swap3A_215 = tpu.vector_load %arg11[%swap3A_213, %swap3A_214] {strides = array<i32>} : memref<328x256xf32, #tpu.memory_space<vmem>>, vector<1x16xf32>,
        %swap3A_216 = vector.shape_cast %swap3A_215 : vector<1x16xf32> to vector<16xf32>
        %swap3A_217 = vector.shape_cast %get3A_212 : vector<16xf32> to vector<1x16xf32>
        tpu.vector_store %arg11[%swap3A_213, %swap3A_214], %swap3A_217 {add = true, strides = array<i32>} : memref<328x256xf32, #tpu.memory_space<vmem>>, vector<1x16xf32>,
        %get3A_218 = arith.index_cast %scan3A_88 : i32 to index
        %get3A_219 = arith.constant 208 : index
        %get3A_220 = tpu.vector_load %arg10[%get3A_218, %get3A_219] {strides = array<i32>} : memref<128x256xf32, #tpu.memory_space<vmem>>, vector<1x16xf32>,
        %get3A_221 = vector.shape_cast %get3A_220 : vector<1x16xf32> to vector<16xf32>
        %swap3A_222 = arith.index_cast %select_n3A_101 : i32 to index
        %swap3A_223 = arith.constant 208 : index
        %swap3A_224 = tpu.vector_load %arg11[%swap3A_222, %swap3A_223] {strides = array<i32>} : memref<328x256xf32, #tpu.memory_space<vmem>>, vector<1x16xf32>,
        %swap3A_225 = vector.shape_cast %swap3A_224 : vector<1x16xf32> to vector<16xf32>
        %swap3A_226 = vector.shape_cast %get3A_221 : vector<16xf32> to vector<1x16xf32>
        tpu.vector_store %arg11[%swap3A_222, %swap3A_223], %swap3A_226 {add = true, strides = array<i32>} : memref<328x256xf32, #tpu.memory_space<vmem>>, vector<1x16xf32>,
        %get3A_227 = arith.index_cast %scan3A_88 : i32 to index
        %get3A_228 = arith.constant 224 : index
        %get3A_229 = tpu.vector_load %arg10[%get3A_227, %get3A_228] {strides = array<i32>} : memref<128x256xf32, #tpu.memory_space<vmem>>, vector<1x16xf32>,
        %get3A_230 = vector.shape_cast %get3A_229 : vector<1x16xf32> to vector<16xf32>
        %swap3A_231 = arith.index_cast %select_n3A_101 : i32 to index
        %swap3A_232 = arith.constant 224 : index
        %swap3A_233 = tpu.vector_load %arg11[%swap3A_231, %swap3A_232] {strides = array<i32>} : memref<328x256xf32, #tpu.memory_space<vmem>>, vector<1x16xf32>,
        %swap3A_234 = vector.shape_cast %swap3A_233 : vector<1x16xf32> to vector<16xf32>
        %swap3A_235 = vector.shape_cast %get3A_230 : vector<16xf32> to vector<1x16xf32>
        tpu.vector_store %arg11[%swap3A_231, %swap3A_232], %swap3A_235 {add = true, strides = array<i32>} : memref<328x256xf32, #tpu.memory_space<vmem>>, vector<1x16xf32>,
        %get3A_236 = arith.index_cast %scan3A_88 : i32 to index
        %get3A_237 = arith.constant 240 : index
        %get3A_238 = tpu.vector_load %arg10[%get3A_236, %get3A_237] {strides = array<i32>} : memref<128x256xf32, #tpu.memory_space<vmem>>, vector<1x16xf32>,
        %get3A_239 = vector.shape_cast %get3A_238 : vector<1x16xf32> to vector<16xf32>
        %swap3A_240 = arith.index_cast %select_n3A_101 : i32 to index
        %swap3A_241 = arith.constant 240 : index
        %swap3A_242 = tpu.vector_load %arg11[%swap3A_240, %swap3A_241] {strides = array<i32>} : memref<328x256xf32, #tpu.memory_space<vmem>>, vector<1x16xf32>,
        %swap3A_243 = vector.shape_cast %swap3A_242 : vector<1x16xf32> to vector<16xf32>
        %swap3A_244 = vector.shape_cast %get3A_239 : vector<16xf32> to vector<1x16xf32>
        tpu.vector_store %arg11[%swap3A_240, %swap3A_241], %swap3A_244 {add = true, strides = array<i32>} : memref<328x256xf32, #tpu.memory_space<vmem>>, vector<1x16xf32>,
        %scan3A_245 = arith.constant 0 : i32
        scf.yield %scan3A_245 : i32
      }
      %scan3A_87 = arith.constant 128 : i32
      scf.yield %scan3A_86 : i32
    }
    %mul3A_68 = arith.constant 320 : i32
    %mul3A_69 = arith.muli %add3A, %mul3A_68 : i32
    %multiple_of3A = tpu.assume_multiple %mul3A_69, 64 : i32
    %lt3A = arith.constant 31 : i32
    %lt3A_70 = arith.cmpi slt, %add3A, %lt3A : i32
    %convert_element_type3A = arith.extui %lt3A_70 : i1 to i32
    %cond3A = arith.constant 0 : i32
    %cond3A_71 = arith.cmpi ne, %convert_element_type3A, %cond3A : i32
    scf.if %cond3A_71 {
      "tpu.region"() ({
        %run_scoped3A = tpu.sem_alloc : memref<!tpu.dma_semaphore, #tpu.memory_space<semaphore_mem>>
        %dma_start3A = arith.constant 0 : i32
        %dma_start3A_76 = arith.constant 0 : i32
        %dma_start3A_77 = tpu.memref_slice %arg11[%dma_start3A, %dma_start3A_76] : memref<328x256xf32, #tpu.memory_space<vmem>> -> memref<320x256xf32, #tpu.memory_space<vmem>>
        %dma_start3A_78 = arith.constant 0 : i32
        %dma_start3A_79 = tpu.memref_slice %arg6[%multiple_of3A, %dma_start3A_78] : memref<10000x256xf32, #tpu.memory_space<hbm>> -> memref<320x256xf32, #tpu.memory_space<hbm>>
        %dma_start3A_80 = arith.constant 0 : i32
        %dma_start3A_81 = tpu.memref_slice %arg6[%multiple_of3A, %dma_start3A_80] : memref<10000x256xf32, #tpu.memory_space<hbm>> -> memref<320x256xf32, #tpu.memory_space<hbm>>
        %dma_start3A_82 = arith.constant 0 : i32
        %dma_start3A_83 = arith.constant 0 : i32
        %dma_start3A_84 = tpu.memref_slice %arg11[%dma_start3A_82, %dma_start3A_83] : memref<328x256xf32, #tpu.memory_space<vmem>> -> memref<320x256xf32, #tpu.memory_space<vmem>>
        tpu.enqueue_dma source(%dma_start3A_84 : memref<320x256xf32, #tpu.memory_space<vmem>>) target(%dma_start3A_81 : memref<320x256xf32, #tpu.memory_space<hbm>>) target_semaphore(%run_scoped3A : memref<!tpu.dma_semaphore, #tpu.memory_space<semaphore_mem>>)
        %dma_wait3A = arith.constant 0 : i32
        %dma_wait3A_85 = arith.constant 0 : i32
        %dma_wait3A_86 = tpu.memref_slice %arg11[%dma_wait3A, %dma_wait3A_85] : memref<328x256xf32, #tpu.memory_space<vmem>> -> memref<320x256xf32, #tpu.memory_space<vmem>>
        %dma_wait3A_87 = arith.constant 0 : i32
        %dma_wait3A_88 = tpu.memref_slice %arg6[%multiple_of3A, %dma_wait3A_87] : memref<10000x256xf32, #tpu.memory_space<hbm>> -> memref<320x256xf32, #tpu.memory_space<hbm>>
        %dma_wait3A_89 = arith.constant 0 : i32
        %dma_wait3A_90 = tpu.memref_slice %arg6[%multiple_of3A, %dma_wait3A_89] : memref<10000x256xf32, #tpu.memory_space<hbm>> -> memref<320x256xf32, #tpu.memory_space<hbm>>
        %dma_wait3A_91 = arith.constant 0 : i32
        %dma_wait3A_92 = arith.constant 0 : i32
        %dma_wait3A_93 = tpu.memref_slice %arg11[%dma_wait3A_91, %dma_wait3A_92] : memref<328x256xf32, #tpu.memory_space<vmem>> -> memref<320x256xf32, #tpu.memory_space<vmem>>
        tpu.wait_dma2 semaphore(%run_scoped3A : memref<!tpu.dma_semaphore, #tpu.memory_space<semaphore_mem>>) src(%dma_wait3A_93 : memref<320x256xf32, #tpu.memory_space<vmem>>) dst(%dma_wait3A_90 : memref<320x256xf32, #tpu.memory_space<hbm>>)
        tpu.yield
      }) : () -> ()
    } else {
    }
    %eq3A = arith.constant 31 : i32
    %eq3A_72 = arith.cmpi eq, %add3A, %eq3A : i32
    %convert_element_type3A_73 = arith.extui %eq3A_72 : i1 to i32
    %cond3A_74 = arith.constant 0 : i32
    %cond3A_75 = arith.cmpi ne, %convert_element_type3A_73, %cond3A_74 : i32
    scf.if %cond3A_75 {
      "tpu.region"() ({
        %run_scoped3A = tpu.sem_alloc : memref<!tpu.dma_semaphore, #tpu.memory_space<semaphore_mem>>
        %dma_start3A = arith.constant 0 : i32
        %dma_start3A_76 = arith.constant 0 : i32
        %dma_start3A_77 = tpu.memref_slice %arg11[%dma_start3A, %dma_start3A_76] : memref<328x256xf32, #tpu.memory_space<vmem>> -> memref<80x256xf32, #tpu.memory_space<vmem>>
        %dma_start3A_78 = arith.constant 0 : i32
        %dma_start3A_79 = tpu.memref_slice %arg6[%multiple_of3A, %dma_start3A_78] : memref<10000x256xf32, #tpu.memory_space<hbm>> -> memref<80x256xf32, #tpu.memory_space<hbm>>
        %dma_start3A_80 = arith.constant 0 : i32
        %dma_start3A_81 = tpu.memref_slice %arg6[%multiple_of3A, %dma_start3A_80] : memref<10000x256xf32, #tpu.memory_space<hbm>> -> memref<80x256xf32, #tpu.memory_space<hbm>>
        %dma_start3A_82 = arith.constant 0 : i32
        %dma_start3A_83 = arith.constant 0 : i32
        %dma_start3A_84 = tpu.memref_slice %arg11[%dma_start3A_82, %dma_start3A_83] : memref<328x256xf32, #tpu.memory_space<vmem>> -> memref<80x256xf32, #tpu.memory_space<vmem>>
        tpu.enqueue_dma source(%dma_start3A_84 : memref<80x256xf32, #tpu.memory_space<vmem>>) target(%dma_start3A_81 : memref<80x256xf32, #tpu.memory_space<hbm>>) target_semaphore(%run_scoped3A : memref<!tpu.dma_semaphore, #tpu.memory_space<semaphore_mem>>)
        %dma_wait3A = arith.constant 0 : i32
        %dma_wait3A_85 = arith.constant 0 : i32
        %dma_wait3A_86 = tpu.memref_slice %arg11[%dma_wait3A, %dma_wait3A_85] : memref<328x256xf32, #tpu.memory_space<vmem>> -> memref<80x256xf32, #tpu.memory_space<vmem>>
        %dma_wait3A_87 = arith.constant 0 : i32
        %dma_wait3A_88 = tpu.memref_slice %arg6[%multiple_of3A, %dma_wait3A_87] : memref<10000x256xf32, #tpu.memory_space<hbm>> -> memref<80x256xf32, #tpu.memory_space<hbm>>
        %dma_wait3A_89 = arith.constant 0 : i32
        %dma_wait3A_90 = tpu.memref_slice %arg6[%multiple_of3A, %dma_wait3A_89] : memref<10000x256xf32, #tpu.memory_space<hbm>> -> memref<80x256xf32, #tpu.memory_space<hbm>>
        %dma_wait3A_91 = arith.constant 0 : i32
        %dma_wait3A_92 = arith.constant 0 : i32
        %dma_wait3A_93 = tpu.memref_slice %arg11[%dma_wait3A_91, %dma_wait3A_92] : memref<328x256xf32, #tpu.memory_space<vmem>> -> memref<80x256xf32, #tpu.memory_space<vmem>>
        tpu.wait_dma2 semaphore(%run_scoped3A : memref<!tpu.dma_semaphore, #tpu.memory_space<semaphore_mem>>) src(%dma_wait3A_93 : memref<80x256xf32, #tpu.memory_space<vmem>>) dst(%dma_wait3A_90 : memref<80x256xf32, #tpu.memory_space<hbm>>)
        tpu.yield
      }) : () -> ()
    } else {
    }
    return
  }
}

</mosaic_0001>

<sc_bundles>
// kernel: _sc_segsum.3.cloned.1.call-start
scs
__scs_entry_jumppad:
0x0: {  	(pc) =	sbr.rel $0x88, $3  }
0x1: {  	(tag) =	ssettag $0x0;
	lr =	simm.s32 $0x1  }
0x2: {  	[smem:$0x3F9D] =	sst lr;
	_ =	strace $0xD0000000  }
0x3: {  	_ = 	snop  }
0x4: {  	_ = 	snop  }
0x5: {  	_ = 	snop  }
0x6: {  	_ = 	snop  }
0x7: {  	_ = 	snop  }
__scs_overlays_trampoline_lowered:
0x8: {  	[smem:$0x3FAC] =	sst s0  }
0x9: {  	[smem:$0x3FAD] =	sst s1  }
0xa: {  	[smem:$0x3FAE] =	sst s2  }
0xb: {  	[smem:$0x3FAF] =	sst s3  }
0xc: {  	[smem:$0x3FB0] =	sst s4  }
0xd: {  	[smem:$0x3FB1] =	sst s5  }
0xe: {  	[smem:$0x3FB2] =	sst s6  }
0xf: {  	[smem:$0x3FB3] =	sst s7  }
0x10: {  	[smem:$0x3FB4] =	sst s8  }
0x11: {  	[smem:$0x3FB5] =	sst s9;
	s0 =	simm.s32 @!p0 $0x0  }
0x12: {  	s1 =	sld [smem:$0x3F9B];
	s0 =	simm.s32 @p0 $0x1  }
0x13: {  	[smem:$0x3FB6] =	sst s0;
	s0 =	simm.s32 @!p1 $0x0  }
0x14: {  	s2 =	sld [smem:$0x3F9A];
	s0 =	simm.s32 @p1 $0x1  }
0x15: {  	[smem:$0x3FB7] =	sst s0;
	s0 =	simm.s32 @!p2 $0x0  }
0x16: {  	s3 =	sld [smem:$0x3FDB];
	s0 =	simm.s32 @p2 $0x1  }
0x17: {  	s4 =	simm.s32 $0x1BF5;
	[smem:$0x3FB9] =	sst s0  }
0x18: {  	s0 =	sld [smem:$0x3F9C];
	_ =	swait.ge [sflag:s4], $0x0  }
0x19: {  	s7 =	sld [smem:$0x3F9D]  }
0x1a: {  	s8 =	sadd.s32 $0xFFFFE003, lr  }
0x1b: {  	s9 =	sadd.s32 $0xFFFFFEF7, lr;
	s5 =	simm.s32 $0xFFFFFFFF;
	p2 =	slt.u32 s8, $0xFFFFF086  }
0x1c: {  	p1 =	slt.u32 s9, $0xF7A;
	s5 =	simm.s32 @!p2 $0x0  }
0x1d: {  	s5 =	simm.s32 @p1 $0x1;
	p0 =	seq.s32 s7, s2  }
0x1e: {  	s7 =	smul.u32 @!p0 $0xF7A, s2;
	p2 =	seq.s32 @!p0 s5, $0x0  }
0x1f: {  	s9 =	smul.u32 $0xF7A, s1;
	s8 =	simm.s32 @!p0 $0x1BF5;
	p2 =	por !p2, p0  }
0x20: {  	[sflag:s8] =	ssyncset.s32 @!p0 $0xFFFFF086;
	s6 =	sadd.s32 @!p0 s3, s7;
	s7 =	simm.s32 @!p0 $0x108  }
0x21: {  	s3 =	sadd.s32 s3, s9;
	s6 =	sadd.s32 @!p0 $0x88, s6;
	s7 =	simm.s32 @p2 $0x1082  }
0x22: {  	[simem:s7], [sflag:s8] =	dma.local @!p0 [hbm:s6], $0xF7A  }
0x23: {  	s9 =	sor.u32 $0xD0000000, s2;
	s6 =	simm.s32 $0x108;
	_ =	swait.ge @!p0 [sflag:s8], $0x0  }
0x24: {  	s3 =	sadd.s32 $0x88, s3;
	s6 =	simm.s32 @!p1 $0x1082;
	[sflag:s4] =	ssyncset.s32 $0xFFFFF086  }
0x25: {  	[simem:s6], [sflag:s4] =	dma.local [hbm:s3], $0xF7A  }
0x26: {  	[smem:$0x3F9D] =	sst s1;
	(tag) =	ssettag s2;
	_ =	strace s9  }
0x27: {  	s1 =	sld [smem:$0x3FAD]  }
0x28: {  	s2 =	sld [smem:$0x3FAE]  }
0x29: {  	s4 =	sld [smem:$0x3FB0]  }
0x2a: {  	p0 =	seq.s32 s5, $0x0;
	s5 =	sld [smem:$0x3FB1]  }
0x2b: {  	s6 =	sld [smem:$0x3FB2]  }
0x2c: {  	s7 =	sld [smem:$0x3FB3]  }
0x2d: {  	s3 =	simm.s32 $0x108;
	s8 =	sld [smem:$0x3FB4]  }
0x2e: {  	s3 =	simm.s32 @!p0 $0x1082;
	s9 =	sld [smem:$0x3FB5]  }
0x2f: {  	lr =	sadd.s32 s0, s3;
	s0 =	sld [smem:$0x3FAC]  }
0x30: {  	s3 =	sld [smem:$0x3FAF]  }
0x31: {  	[smem:$0x3FB8] =	sst s10  }
0x32: {  	s10 =	sld [smem:$0x3FB6];
	_ =	sdelay $0x3  }
0x33: {  	p0 =	seq.s32 s10, $0x1;
	s10 =	sld [smem:$0x3FB8];
	_ =	sdelay $0x3  }
0x34: {  	[smem:$0x3FB8] =	sst s10  }
0x35: {  	s10 =	sld [smem:$0x3FB7];
	_ =	sdelay $0x3  }
0x36: {  	p1 =	seq.s32 s10, $0x1;
	s10 =	sld [smem:$0x3FB8];
	_ =	sdelay $0x3  }
0x37: {  	[smem:$0x3FB8] =	sst s10  }
0x38: {  	s10 =	sld [smem:$0x3FB9]  }
0x39: {  	_ = 	snop;
	(pc) =	sbr.ind lr, $3  }
0x3a: {  	_ = 	snop  }
0x3b: {  	_ = 	snop  }
0x3c: {  	p2 =	seq.s32 s10, $0x1;
	s10 =	sld [smem:$0x3FB8]  }
0x3d: {  	_ =	shalt  }
0x3e: {  	_ =	shalt  }
0x3f: {  	_ =	shalt  }
0x40: {  	_ =	shalt  }
0x41: {  	_ =	shalt  }
0x42: {  	_ =	shalt  }
0x43: {  	_ =	shalt  }
0x44: {  	_ =	shalt  }
0x45: {  	_ =	shalt  }
0x46: {  	_ =	shalt  }
0x47: {  	_ =	shalt  }
0x48: {  	_ =	shalt  }
0x49: {  	_ =	shalt  }
0x4a: {  	_ =	shalt  }
0x4b: {  	_ =	shalt  }
0x4c: {  	_ =	shalt  }
0x4d: {  	_ =	shalt  }
0x4e: {  	_ =	shalt  }
0x4f: {  	_ =	shalt  }
0x50: {  	_ =	shalt  }
0x51: {  	_ =	shalt  }
0x52: {  	_ =	shalt  }
0x53: {  	_ =	shalt  }
0x54: {  	_ =	shalt  }
0x55: {  	_ =	shalt  }
0x56: {  	_ =	shalt  }
0x57: {  	_ =	shalt  }
0x58: {  	_ =	shalt  }
0x59: {  	_ =	shalt  }
0x5a: {  	_ =	shalt  }
0x5b: {  	_ =	shalt  }
0x5c: {  	_ =	shalt  }
0x5d: {  	_ =	shalt  }
0x5e: {  	_ =	shalt  }
0x5f: {  	_ =	shalt  }
0x60: {  	_ =	shalt  }
0x61: {  	_ =	shalt  }
0x62: {  	_ =	shalt  }
0x63: {  	_ =	shalt  }
0x64: {  	_ =	shalt  }
0x65: {  	_ =	shalt  }
0x66: {  	_ =	shalt  }
0x67: {  	_ =	shalt  }
0x68: {  	_ =	shalt  }
0x69: {  	_ =	shalt  }
0x6a: {  	_ =	shalt  }
0x6b: {  	_ =	shalt  }
0x6c: {  	_ =	shalt  }
0x6d: {  	_ =	shalt  }
0x6e: {  	_ =	shalt  }
0x6f: {  	_ =	shalt  }
0x70: {  	_ =	shalt  }
0x71: {  	_ =	shalt  }
0x72: {  	_ =	shalt  }
0x73: {  	_ =	shalt  }
0x74: {  	_ =	shalt  }
0x75: {  	_ =	shalt  }
0x76: {  	_ =	shalt  }
0x77: {  	_ =	shalt  }
0x78: {  	_ =	shalt  }
0x79: {  	_ =	shalt  }
0x7a: {  	_ =	shalt  }
0x7b: {  	_ =	shalt  }
0x7c: {  	_ =	shalt  }
0x7d: {  	_ =	shalt  }
0x7e: {  	_ =	shalt  }
0x7f: {  	_ =	shalt  }
0x80: {  	_ =	shalt  }
0x81: {  	_ =	shalt  }
0x82: {  	_ =	shalt  }
0x83: {  	_ =	shalt  }
0x84: {  	_ =	shalt  }
0x85: {  	_ =	shalt  }
0x86: {  	_ =	shalt  }
0x87: {  	_ =	shalt  }
.Lfunc_end0:
.L_simem_size_0:
called_computation_lowered:
.L_overlay_start_0:
0x88: {  	s2 =	sld [smem:$0x3FD9]  }
0x89: {  	s3 =	sld [smem:$0x3FFE];
	_ =	sdelay $0x1  }
0x8a: {  	s1 =	srdreg.scid  }
0x8b: {  	s0 =	sand.u32 $0x1, s1  }
0x8c: {  	s18 =	sshll.u32 s0, $0xA;
	s2 =	sadd.s32 s3, s2  }
0x8d: {  	s2 =	sadd.s32 s2, s18  }
0x8e: {  	[smem:$0x3FC4] =	sst s2  }
0x8f: {  	_ = 	snop  }
0x90: {  	s2 =	sld [smem:$0x3FC9]  }
0x91: {  	s19 =	sld [smem:$0x3FC8]  }
0x92: {  	s4 =	sld [smem:$0x3FC7]  }
0x93: {  	s5 =	sld [smem:$0x3FC6]  }
0x94: {  	s6 =	sld [smem:$0x3FD0];
	(tm) =	ssettm $0x1  }
0x95: {  	s7 =	sld [smem:$0x3FFB];
	_ =	sdelay $0x3  }
0x96: {  	_ =	strace s7  }
0x97: {  	s7 =	sld [smem:$0x3FFC];
	_ =	sdelay $0x3  }
0x98: {  	_ =	strace s7  }
0x99: {  	s7 =	sld [smem:$0x3FFD];
	_ =	sdelay $0x3  }
0x9a: {  	_ =	strace s7  }
0x9b: {  	_ =	strace $0x8FFFFFFF  }
0x9c: {  	s20 =	sld [smem:$0x3FDB];
	_ =	sdelay $0x1  }
0x9d: {  	s8 =	simm.s32 $_scs_section_size  }
0x9e: {  	s9 =	simm.s32 $_size__tile_overlayer_lowered;
	s10 =	simm.s32 $_tile_overlayer_lowered  }
0x9f: {  	s23 =	simm.s32 $0x1BFF;
	s22 =	sshll.u32 s10, $0x1;
	s7 =	sadd.s32 s8, s20  }
0xa0: {  	s11 =	simm.s32 $0x0;
	s21 =	sshll.u32 s9, $0x1;
	s9 =	sadd.s32 s22, s7  }
0xa1: {  	[timem:s11], [sflag:s23] =	dma.local [hbm:s9], s21  }
0xa2: {  	_ =	swait.ge [sflag:s23], s21  }
0xa3: {  	s8 =	ssub.s32 $0x0, s21;
	[sflag:s23] =	ssyncset.done $0x0  }
0xa4: {  	[sflag:s23] =	ssyncadd.s32 s8;
	_ =	sdelay $0x1  }
0xa5: {  	s24 =	simm.s32 $0x1B8B  }
0xa6: {  	_ =	swait.ge [sflag:s24], $0x1  }
0xa7: {  	[sflag:s24] =	ssyncset.done $0x0  }
0xa8: {  	s25 =	simm.s32 $0x1B8E;
	[sflag:s24] =	ssyncadd.s32 $0xFFFFFFFF  }
0xa9: {  	s26 =	simm.s32 $execute0_lowered;
	[smem:$0x3FD2] =	sst s25  }
0xaa: {  	s8 =	sshll.u32 s26, $0x1;
	_ =	strace $0x80000046;
	[dreg:$0x1] =	wrdreg $0xFFFFFFFF  }
0xab: {  	s28 =	simm.s32 $_size_execute0_lowered;
	s7 =	sadd.s32 s7, s8;
	[dreg:$0x0] =	wrdreg $0x0  }
0xac: {  	s8 =	sshll.u32 s28, $0x1;
	[dreg:$0x2] =	wrdreg s7  }
0xad: {  	[dreg:$0x3] =	wrdreg s8  }
0xae: {  	[dreg:$0x4] =	wrdreg $0xC0  }
0xaf: {  	_ =	task [dreg:s11], $0x5FFFF  }
0xb0: {  	[dreg:$0x1] =	wrdreg $0xFFFFFFFF  }
0xb1: {  	[dreg:$0x0] =	wrdreg $0x60  }
0xb2: {  	[dreg:$0x2] =	wrdreg s2  }
0xb3: {  	[dreg:$0x3] =	wrdreg s19  }
0xb4: {  	[dreg:$0x4] =	wrdreg s4  }
0xb5: {  	[dreg:$0x5] =	wrdreg s5  }
0xb6: {  	[dreg:$0x6] =	wrdreg s6  }
0xb7: {  	[dreg:$0x7] =	wrdreg $0x9  }
0xb8: {  	_ =	task.clear_ibuf [dreg:s11], $0x8FFFF;
	_ =	strace $0x90000046  }
0xb9: {  	s29 =	simm.s32 $0x9;
	_ =	strace $0x80000048  }
0xba: {  	_ =	swait.ge [sflag:s29], $0x1  }
0xbb: {  	[sflag:s29] =	ssyncadd.s32 $0xFFFFFFFF  }
0xbc: {  	_ =	strace $0x90000048  }
0xbd: {  	_ =	sfence  }
0xbe: {  	s30 =	sld [smem:$0x0];
	_ =	sdelay $0x2  }
0xbf: {  	s31 =	sshll.u32 s1, $0xD;
	s1 =	sshrl.u32 s1, $0x2  }
0xc0: {  	s3 =	sand.u32 $0x4000, s31;
	s1 =	sadd.s32 s1, s30  }
0xc1: {  	s0 =	sor.u32 s3, s0;
	s1 =	sshll.u32 s1, $0x11  }
0xc2: {  	s0 =	sor.u32 s1, s0  }
0xc3: {  	s0 =	sadd.s32 $0x8F2B, s0  }
0xc4: {  	[sflag:s0] =	ssyncadd.remote.s32 $0x1  }
0xc5: {  	_ =	sfence.sel $0xFFFF  }
0xc6: {  	[dreg:$0x0] =	wrdreg $0xFFFFFFFF;
	(pc) =	sbr.abs _section_cstart, $3  }
0xc7: {  	[dreg:$0x1] =	wrdreg $0xFFFFFFFF  }
0xc8: {  	_ =	task.clear_ibuf [dreg:s11], $0x2FFFF;
	_ =	strace $0x9FFFFFFF  }
0xc9: {  	(tm) =	ssettm $0x7FFFFFFF  }
tec
execute0_lowered:
.L_overlay_start_1:
0x0: {  	(tag) =	ssettag $0x1  }
0x1: {  	s2 =	rddreg [dreg:$0x1]  }
0x2: {  	s4 =	rddreg [dreg:$0x2]  }
0x3: {  	s5 =	rddreg [dreg:$0x3]  }
0x4: {  	s0 =	rddreg [dreg:$0x4]  }
0x5: {  	s1 =	srdreg.scid;
	s3 =	stileid.u32  }
0x6: {  	s9 =	simm.s32 $0x0;
	s12 =	simm.s32 $0x1;
	s13 =	simm.s32 $0x80  }
0x7: {  	s14 =	simm.s32 $0x200;
	s15 =	simm.s32 $0xA00;
	s16 =	simm.s32 $0x1200  }
0x8: {  	s17 =	simm.s32 $0x1A00;
	s18 =	simm.s32 $0x2200;
	s19 =	simm.s32 $0x2A00  }
0x9: {  	s20 =	simm.s32 $0x3200;
	s21 =	simm.s32 $0x3A00;
	s22 =	simm.s32 $0x4200  }
0xa: {  	s23 =	simm.s32 $0x4A00;
	s24 =	simm.s32 $0x5200;
	s25 =	simm.s32 $0x5A00  }
0xb: {  	s28 =	simm.s32 $0x6A00;
	s1 =	sand.u32 $0x1, s1;
	s3 =	sshll.u32 s3, $0x1  }
0xc: {  	s29 =	simm.s32 $0x7200;
	s30 =	simm.s32 $0x7A00;
	s7 =	sor.u32 s1, s3  }
0xd: {  	[smem:$0x7FF] =	sst s9;
	s6 =	ssub.s32 $0x2, s1;
	s3 =	smul.u32 $0x2800, s7  }
.Ltmp0:
0xe: {  	_ =	strace $0x80000047;
	s26 =	sshrl.u32 s6, $0x1;
	(pc) =	sbr.rel .LBB2_1-.Ltmp0, $4  }
0xf: {  	s8 =	smul.u32 $0xFFFFFEC0, s7;
	[dreg:$0x6] =	wrdreg s7;
	s3 =	sadd.s32 s0, s3  }
0x10: {  	v3 =	vlaneseq.u32;
	s1 =	ssub.s32 s6, s26;
	s0 =	sadd.s32 $0x4D800, s0;
	[dreg:$0x7] =	wrdreg s3  }
0x11: {  	v0 =	vimm.f32 $0.0e+00;
	vm0 =	vmmov $0xffff;
	v2 =	vshrl.u32 v3, $0x3;
	p0 =	seq.s32 s7, $0x1F;
	s31 =	smax.u32 s1, $0x1;
	[dreg:$0x8] =	wrdreg s0  }
0x12: {  	v1 =	vand.u32 $0x7, v3;
	v3 =	vor.u32 $0x8, v3;
	v2 =	vmul.u32 $0x8, v2;
	s26 =	simm.s32 $0x6200;
	[dreg:$0x9] =	wrdreg s31;
	s3 =	simm.s32 $0x0  }
.LBB2_7:
0x13: {  	s0 =	simm.s32 @p0 $0x0;
	s1 =	simm.s32 @p0 $0x8200;
	s3 =	rddreg [dreg:$0x8]  }
0x14: {  	[hbm4b:s3+s0] =	stream.linear.scatter @p0 [tilespmem:s1], [sflag:$0x1], $0x5000, $0x38;
	[tilespmem:$0x1CA00] =	vst v63  }
0x15: {  	s0 =	simm.s32 @p0 $0x1  }
0x16: {  	_ =	swait.ge @p0 [sflag:s0], $0x5000  }
0x17: {  	s1 =	simm.s32 @!p0 $0x8200;
	[sflag:s0] =	ssyncset.done @p0 $0x0  }
0x18: {  	s3 =	rddreg [dreg:$0x7];
	[sflag:s0] =	ssyncadd.s32 @p0 $0xFFFFB000;
	s0 =	simm.s32 @!p0 $0x0  }
0x19: {  	[hbm4b:s3+s0] =	stream.linear.scatter @!p0 [tilespmem:s1], [sflag:$0x1], $0x14000, $0x38;
	[tilespmem:$0x1CA00] =	vst v63  }
0x1a: {  	s0 =	simm.s32 @!p0 $0x1  }
0x1b: {  	_ =	swait.ge @!p0 [sflag:s0], $0x14000  }
0x1c: {  	s11 =	rddreg [dreg:$0xa]  }
0x1d: {  	s31 =	rddreg [dreg:$0x9];
	s3 =	sadd.s32 $0x1, s11  }
0x1e: {  	p1 =	sne.s32 s3, s31  }
.Ltmp1:
0x1f: {  	_ = 	snop;
	(pc) =	sbr.rel @!p1 .LBB2_8-.Ltmp1, $3  }
0x20: {  	_ =	sdelay $0x1  }
0x21: {  	[sflag:s0] =	ssyncset.done @!p0 $0x0  }
0x22: {  	s9 =	simm.s32 $0x0;
	[sflag:s0] =	ssyncadd.s32 @!p0 $0xFFFEC000  }
.LBB2_1:
0x23: {  	s0 =	sand.u32 $0x1F800, s9;
	s1 =	sand.u32 $0x380, s9  }
0x24: {  	s0 =	sor.u32 s1, s0  }
0x25: {  	[tilespmem:s0+$0x8670] =	vst v0  }
0x26: {  	[tilespmem:s0+$0x8200] =	vst v0  }
0x27: {  	[tilespmem:s0+$0x8210] =	vst v0  }
0x28: {  	[tilespmem:s0+$0x8220] =	vst v0  }
0x29: {  	[tilespmem:s0+$0x8230] =	vst v0  }
0x2a: {  	[tilespmem:s0+$0x8240] =	vst v0  }
0x2b: {  	[tilespmem:s0+$0x8250] =	vst v0  }
0x2c: {  	[tilespmem:s0+$0x8260] =	vst v0  }
0x2d: {  	[tilespmem:s0+$0x8270] =	vst v0  }
0x2e: {  	[tilespmem:s0+$0x8600] =	vst v0  }
0x2f: {  	[tilespmem:s0+$0x8610] =	vst v0  }
0x30: {  	[tilespmem:s0+$0x8620] =	vst v0  }
0x31: {  	[tilespmem:s0+$0x8630] =	vst v0  }
0x32: {  	[dreg:$0xa] =	wrdreg s3;
	s31 =	simm.s32 $0x100;
	s1 =	simm.s32 $0x80;
	[tilespmem:s0+$0x8640] =	vst v0  }
0x33: {  	s3 =	simm.s32 $0x200;
	s6 =	sand.u32 $0x1F800, s31;
	s7 =	sand.u32 $0x380, s1;
	[tilespmem:s0+$0x8650] =	vst v0  }
.LBB2_2:
0x34: {  	p1 =	sne.s32 s3, $0x14700;
	[tilespmem:s0+$0x8660] =	vst v0;
	s0 =	sor.u32 s7, s6  }
0x35: {  	[tilespmem:s0+$0x8670] =	vst v0  }
0x36: {  	[tilespmem:s0+$0x8200] =	vst v0  }
0x37: {  	[tilespmem:s0+$0x8210] =	vst v0  }
0x38: {  	[tilespmem:s0+$0x8220] =	vst v0  }
0x39: {  	[tilespmem:s0+$0x8230] =	vst v0  }
0x3a: {  	[tilespmem:s0+$0x8240] =	vst v0  }
0x3b: {  	[tilespmem:s0+$0x8250] =	vst v0  }
0x3c: {  	[tilespmem:s0+$0x8260] =	vst v0  }
0x3d: {  	[tilespmem:s0+$0x8270] =	vst v0  }
0x3e: {  	[tilespmem:s0+$0x8600] =	vst v0  }
.Ltmp2:
0x3f: {  	[tilespmem:s0+$0x8610] =	vst v0;
	(pc) =	sbr.rel @p1 .LBB2_2-.Ltmp2, $4  }
0x40: {  	[tilespmem:s0+$0x8620] =	vst v0  }
0x41: {  	[tilespmem:s0+$0x8630] =	vst v0  }
0x42: {  	s1 =	sadd.s32 $0x80, s1;
	[tilespmem:s0+$0x8640] =	vst v0  }
0x43: {  	s6 =	sand.u32 $0x1F800, s3;
	s3 =	sadd.s32 $0x100, s3;
	s7 =	sand.u32 $0x380, s1;
	[tilespmem:s0+$0x8650] =	vst v0  }
0x44: {  	s1 =	sor.u32 s7, s6;
	[tilespmem:s0+$0x8660] =	vst v0  }
0x45: {  	[tilespmem:s1+$0x8670] =	vst v0  }
0x46: {  	[tilespmem:s1+$0x8200] =	vst v0  }
0x47: {  	[tilespmem:s1+$0x8210] =	vst v0  }
0x48: {  	[tilespmem:s1+$0x8220] =	vst v0  }
0x49: {  	[tilespmem:s1+$0x8230] =	vst v0  }
0x4a: {  	[tilespmem:s1+$0x8240] =	vst v0  }
0x4b: {  	[tilespmem:s1+$0x8250] =	vst v0  }
0x4c: {  	[tilespmem:s1+$0x8260] =	vst v0  }
0x4d: {  	[tilespmem:s1+$0x8270] =	vst v0  }
0x4e: {  	[tilespmem:s1+$0x8600] =	vst v0  }
0x4f: {  	[tilespmem:s1+$0x8610] =	vst v0  }
0x50: {  	[tilespmem:s1+$0x8620] =	vst v0  }
0x51: {  	[tilespmem:s1+$0x8630] =	vst v0  }
0x52: {  	[tilespmem:s1+$0x8640] =	vst v0  }
0x53: {  	[tilespmem:s1+$0x8650] =	vst v0  }
0x54: {  	s10 =	rddreg [dreg:$0x0];
	[tilespmem:s1+$0x8660] =	vst v0  }
0x55: {  	[tilespmem:s9], [sflag:$0x1] =	stream.linear.gather [hbm4b:s10+s9], $0x80, $0x38;
	[tilespmem:$0x1CA00] =	vst v63  }
0x56: {  	_ =	swait.ge [sflag:s12], $0x80  }
0x57: {  	[sflag:s12] =	ssyncset.done $0x0  }
0x58: {  	s11 =	rddreg [dreg:$0x6];
	[sflag:s12] =	ssyncadd.s32 $0xFFFFFF80  }
0x59: {  	v4 =	vld [tilespmem:s11+$0x0];
	_ =	sdelay $0x4  }
0x5a: {  	(v2sf) =	vpush v4, $0x0  }
0x5b: {  	(v2sf) =	vpush v4, $0x1;
	_ =	sdelay $0xd  }
0x5c: {  	s31 =	spop (v2sf)  }
0x5d: {  	s6 =	sshra.s32 s31, $0x1F;
	s3 =	spop (v2sf);
	s7 =	sand.u32 $0x7F, s31  }
0x5e: {  	p1 =	slt.s32 s31, $0x1;
	s1 =	sshrl.u32 s6, $0x19;
	s3 =	sadd.s32 $0x7F, s3  }
0x5f: {  	p2 =	sne.s32 s7, $0x0;
	s6 =	simm.s32 $0x1;
	s1 =	sadd.s32 s1, s31  }
0x60: {  	s9 =	sand.u32 $0x7F, s3;
	p1 =	por !p1, !p2;
	p6 =	slt.s32 s3, $0x1  }
0x61: {  	s11 =	sshra.s32 s3, $0x1F;
	p3 =	sne.s32 s9, $0x0;
	s10 =	sshra.s32 s1, $0x7  }
0x62: {  	p1 =	por !p1, !p1;
	s1 =	sshrl.u32 s11, $0x19;
	p2 =	por !p6, !p3  }
0x63: {  	s1 =	sadd.s32 s1, s3;
	s3 =	simm.s32 $0x1;
	p2 =	por !p2, !p2  }
0x64: {  	s6 =	simm.s32 @!p1 $0x0;
	s31 =	sshra.s32 s1, $0x7;
	s3 =	simm.s32 @!p2 $0x0  }
0x65: {  	s1 =	ssub.s32 s10, s6;
	s3 =	ssub.s32 s31, s3  }
0x66: {  	p1 =	sge.s32 s1, s3  }
.Ltmp3:
0x67: {  	_ = 	snop;
	(pc) =	sbr.rel @p1 .LBB2_7-.Ltmp3, $1  }
0x68: {  	_ =	sdelay $0x3  }
.LBB2_4:
0x69: {  	s0 =	sshll.u32 s1, $0x4  }
0x6a: {  	s6 =	sand.u32 $0x1FFFFFF0, s0  }
0x6b: {  	s0 =	simm.s32 $0x0;
	s7 =	sadd.s32 s2, s6  }
0x6c: {  	[tilespmem:s13], [sflag:$0x1] =	stream.linear.gather [hbm4b:s7+s0], $0x80, $0x38;
	[tilespmem:$0x1CA00] =	vst v63  }
0x6d: {  	_ =	swait.ge [sflag:s12], $0x80  }
0x6e: {  	[sflag:s12] =	ssyncset.done $0x0  }
0x6f: {  	s9 =	simm.s32 $0x100;
	s6 =	sadd.s32 s4, s6;
	[sflag:s12] =	ssyncadd.s32 $0xFFFFFF80  }
0x70: {  	[tilespmem:s9], [sflag:$0x1] =	stream.linear.gather [hbm4b:s6+s0], $0x80, $0x38;
	[tilespmem:$0x1CA00] =	vst v63  }
0x71: {  	_ =	swait.ge [sflag:s12], $0x80  }
0x72: {  	[sflag:s12] =	ssyncset.done $0x0  }
0x73: {  	[sflag:s12] =	ssyncadd.s32 $0xFFFFFF80  }
0x74: {  	v4 =	vld [tilespmem:$0x80];
	_ =	sdelay $0x4  }
0x75: {  	v5 =	vshll.u32 v4, $0x1  }
0x76: {  	v4 =	vand.u32 $0x7, v4;
	v5 =	vand.u32 $0xFFFFFFF0, v5  }
0x77: {  	v4 =	vor.u32 v4, v5  }
0x78: {  	v5 =	vperm.xlane v4, v1;
	_ =	sdelay $0x1  }
0x79: {  	v4 =	vperm.xlane v4, v3;
	v5 =	vadd.s32 v2, v5;
	_ =	sdelay $0x1  }
0x7a: {  	v4 =	vadd.s32 v2, v4;
	_ =	sdelay $0x2  }
0x7b: {  	[tilespmem:s14], [sflag:$0x1] =	stream.indirect_vreg.gather [hbm4b:s5+s0], $0x80, v5, vm0, $0xb8;
	[tilespmem:$0x1CA00] =	vst v63  }
0x7c: {  	_ = 	snop  }
0x7d: {  	[tilespmem:s15], [sflag:$0x1] =	stream.indirect_vreg.gather [hbm4b:s5+s0], $0x80, v4, vm0, $0xb8;
	[tilespmem:$0x1CA00] =	vst v63  }
0x7e: {  	v4 =	vld [tilespmem:$0x90];
	_ =	sdelay $0x4  }
0x7f: {  	v5 =	vshll.u32 v4, $0x1  }
0x80: {  	v4 =	vand.u32 $0x7, v4;
	v5 =	vand.u32 $0xFFFFFFF0, v5  }
0x81: {  	v4 =	vor.u32 v4, v5  }
0x82: {  	v5 =	vperm.xlane v4, v1;
	_ =	sdelay $0x1  }
0x83: {  	v4 =	vperm.xlane v4, v3;
	v5 =	vadd.s32 v2, v5;
	_ =	sdelay $0x1  }
0x84: {  	v4 =	vadd.s32 v2, v4;
	_ =	sdelay $0x2  }
0x85: {  	[tilespmem:s16], [sflag:$0x1] =	stream.indirect_vreg.gather [hbm4b:s5+s0], $0x80, v5, vm0, $0xb8;
	[tilespmem:$0x1CA00] =	vst v63  }
0x86: {  	_ = 	snop  }
0x87: {  	[tilespmem:s17], [sflag:$0x1] =	stream.indirect_vreg.gather [hbm4b:s5+s0], $0x80, v4, vm0, $0xb8;
	[tilespmem:$0x1CA00] =	vst v63  }
0x88: {  	v4 =	vld [tilespmem:$0xA0];
	_ =	sdelay $0x4  }
0x89: {  	v5 =	vshll.u32 v4, $0x1  }
0x8a: {  	v4 =	vand.u32 $0x7, v4;
	v5 =	vand.u32 $0xFFFFFFF0, v5  }
0x8b: {  	v4 =	vor.u32 v4, v5  }
0x8c: {  	v5 =	vperm.xlane v4, v1;
	_ =	sdelay $0x1  }
0x8d: {  	v4 =	vperm.xlane v4, v3;
	v5 =	vadd.s32 v2, v5;
	_ =	sdelay $0x1  }
0x8e: {  	v4 =	vadd.s32 v2, v4;
	_ =	sdelay $0x2  }
0x8f: {  	[tilespmem:s18], [sflag:$0x1] =	stream.indirect_vreg.gather [hbm4b:s5+s0], $0x80, v5, vm0, $0xb8;
	[tilespmem:$0x1CA00] =	vst v63  }
0x90: {  	_ = 	snop  }
0x91: {  	[tilespmem:s19], [sflag:$0x1] =	stream.indirect_vreg.gather [hbm4b:s5+s0], $0x80, v4, vm0, $0xb8;
	[tilespmem:$0x1CA00] =	vst v63  }
0x92: {  	v4 =	vld [tilespmem:$0xB0];
	_ =	sdelay $0x4  }
0x93: {  	v5 =	vshll.u32 v4, $0x1  }
0x94: {  	v4 =	vand.u32 $0x7, v4;
	v5 =	vand.u32 $0xFFFFFFF0, v5  }
0x95: {  	v4 =	vor.u32 v4, v5  }
0x96: {  	v5 =	vperm.xlane v4, v1;
	_ =	sdelay $0x1  }
0x97: {  	v4 =	vperm.xlane v4, v3;
	v5 =	vadd.s32 v2, v5;
	_ =	sdelay $0x1  }
0x98: {  	v4 =	vadd.s32 v2, v4;
	_ =	sdelay $0x2  }
0x99: {  	[tilespmem:s20], [sflag:$0x1] =	stream.indirect_vreg.gather [hbm4b:s5+s0], $0x80, v5, vm0, $0xb8;
	[tilespmem:$0x1CA00] =	vst v63  }
0x9a: {  	_ = 	snop  }
0x9b: {  	[tilespmem:s21], [sflag:$0x1] =	stream.indirect_vreg.gather [hbm4b:s5+s0], $0x80, v4, vm0, $0xb8;
	[tilespmem:$0x1CA00] =	vst v63  }
0x9c: {  	v4 =	vld [tilespmem:$0xC0];
	_ =	sdelay $0x4  }
0x9d: {  	v5 =	vshll.u32 v4, $0x1  }
0x9e: {  	v4 =	vand.u32 $0x7, v4;
	v5 =	vand.u32 $0xFFFFFFF0, v5  }
0x9f: {  	v4 =	vor.u32 v4, v5  }
0xa0: {  	v5 =	vperm.xlane v4, v1;
	_ =	sdelay $0x1  }
0xa1: {  	v4 =	vperm.xlane v4, v3;
	v5 =	vadd.s32 v2, v5;
	_ =	sdelay $0x1  }
0xa2: {  	v4 =	vadd.s32 v2, v4;
	_ =	sdelay $0x2  }
0xa3: {  	[tilespmem:s22], [sflag:$0x1] =	stream.indirect_vreg.gather [hbm4b:s5+s0], $0x80, v5, vm0, $0xb8;
	[tilespmem:$0x1CA00] =	vst v63  }
0xa4: {  	_ = 	snop  }
0xa5: {  	[tilespmem:s23], [sflag:$0x1] =	stream.indirect_vreg.gather [hbm4b:s5+s0], $0x80, v4, vm0, $0xb8;
	[tilespmem:$0x1CA00] =	vst v63  }
0xa6: {  	v4 =	vld [tilespmem:$0xD0];
	_ =	sdelay $0x4  }
0xa7: {  	v5 =	vshll.u32 v4, $0x1  }
0xa8: {  	v4 =	vand.u32 $0x7, v4;
	v5 =	vand.u32 $0xFFFFFFF0, v5  }
0xa9: {  	v4 =	vor.u32 v4, v5  }
0xaa: {  	v5 =	vperm.xlane v4, v1;
	_ =	sdelay $0x1  }
0xab: {  	v4 =	vperm.xlane v4, v3;
	v5 =	vadd.s32 v2, v5;
	_ =	sdelay $0x1  }
0xac: {  	v4 =	vadd.s32 v2, v4;
	_ =	sdelay $0x2  }
0xad: {  	[tilespmem:s24], [sflag:$0x1] =	stream.indirect_vreg.gather [hbm4b:s5+s0], $0x80, v5, vm0, $0xb8;
	[tilespmem:$0x1CA00] =	vst v63  }
0xae: {  	_ = 	snop  }
0xaf: {  	[tilespmem:s25], [sflag:$0x1] =	stream.indirect_vreg.gather [hbm4b:s5+s0], $0x80, v4, vm0, $0xb8;
	[tilespmem:$0x1CA00] =	vst v63  }
0xb0: {  	v4 =	vld [tilespmem:$0xE0];
	_ =	sdelay $0x4  }
0xb1: {  	v5 =	vshll.u32 v4, $0x1  }
0xb2: {  	v4 =	vand.u32 $0x7, v4;
	v5 =	vand.u32 $0xFFFFFFF0, v5  }
0xb3: {  	v4 =	vor.u32 v4, v5  }
0xb4: {  	v5 =	vperm.xlane v4, v1;
	_ =	sdelay $0x1  }
0xb5: {  	v4 =	vperm.xlane v4, v3;
	v5 =	vadd.s32 v2, v5;
	_ =	sdelay $0x1  }
0xb6: {  	v4 =	vadd.s32 v2, v4;
	_ =	sdelay $0x2  }
0xb7: {  	[tilespmem:s26], [sflag:$0x1] =	stream.indirect_vreg.gather [hbm4b:s5+s0], $0x80, v5, vm0, $0xb8;
	[tilespmem:$0x1CA00] =	vst v63  }
0xb8: {  	_ = 	snop  }
0xb9: {  	[tilespmem:s28], [sflag:$0x1] =	stream.indirect_vreg.gather [hbm4b:s5+s0], $0x80, v4, vm0, $0xb8;
	[tilespmem:$0x1CA00] =	vst v63  }
0xba: {  	v4 =	vld [tilespmem:$0xF0];
	_ =	sdelay $0x4  }
0xbb: {  	v5 =	vshll.u32 v4, $0x1  }
0xbc: {  	v4 =	vand.u32 $0x7, v4;
	v5 =	vand.u32 $0xFFFFFFF0, v5  }
0xbd: {  	v4 =	vor.u32 v4, v5  }
0xbe: {  	v5 =	vperm.xlane v4, v1;
	_ =	sdelay $0x1  }
0xbf: {  	v4 =	vperm.xlane v4, v3;
	v5 =	vadd.s32 v2, v5;
	_ =	sdelay $0x1  }
0xc0: {  	v4 =	vadd.s32 v2, v4;
	_ =	sdelay $0x2  }
0xc1: {  	[tilespmem:s29], [sflag:$0x1] =	stream.indirect_vreg.gather [hbm4b:s5+s0], $0x80, v5, vm0, $0xb8;
	[tilespmem:$0x1CA00] =	vst v63  }
0xc2: {  	_ = 	snop  }
0xc3: {  	[tilespmem:s30], [sflag:$0x1] =	stream.indirect_vreg.gather [hbm4b:s5+s0], $0x80, v4, vm0, $0xb8;
	[tilespmem:$0x1CA00] =	vst v63  }
0xc4: {  	_ =	swait.ge [sflag:s12], $0x8000  }
0xc5: {  	[sflag:s12] =	ssyncset.done $0x0  }
0xc6: {  	[sflag:s12] =	ssyncadd.s32 $0xFFFF8000  }
0xc7: {  	v4 =	vld [tilespmem:s9+$0x0];
	_ =	sdelay $0x4  }
0xc8: {  	(v2sf) =	vpush v4, $0x0;
	_ =	sdelay $0xd  }
0xc9: {  	s10 =	sand.u32 $0x7800, s0;
	s11 =	sand.u32 $0x380, s0  }
0xca: {  	s6 =	sor.u32 s11, s10;
	s31 =	spop (v2sf)  }
0xcb: {  	v4 =	vld [tilespmem:s6+$0x200];
	s7 =	sadd.s32 s8, s31  }
0xcc: {  	s7 =	smin.u32 s7, $0x140  }
0xcd: {  	s9 =	sshll.u32 s7, $0x8;
	s7 =	sshll.u32 s7, $0x7  }
0xce: {  	s9 =	sand.u32 $0x1F800, s9;
	s7 =	sand.u32 $0x380, s7  }
0xcf: {  	s7 =	sor.u32 s7, s9  }
0xd0: {  	[tilespmem:s7+$0x8200] =	vst.add.f32.msk $0xffff, v4  }
0xd1: {  	v4 =	vld [tilespmem:s6+$0x210];
	_ =	sdelay $0x4  }
0xd2: {  	[tilespmem:s7+$0x8210] =	vst.add.f32.msk $0xffff, v4  }
0xd3: {  	v4 =	vld [tilespmem:s6+$0x220];
	_ =	sdelay $0x4  }
0xd4: {  	[tilespmem:s7+$0x8220] =	vst.add.f32.msk $0xffff, v4  }
0xd5: {  	v4 =	vld [tilespmem:s6+$0x230];
	_ =	sdelay $0x4  }
0xd6: {  	[tilespmem:s7+$0x8230] =	vst.add.f32.msk $0xffff, v4  }
0xd7: {  	v4 =	vld [tilespmem:s6+$0x240];
	_ =	sdelay $0x4  }
0xd8: {  	[tilespmem:s7+$0x8240] =	vst.add.f32.msk $0xffff, v4  }
0xd9: {  	v4 =	vld [tilespmem:s6+$0x250];
	_ =	sdelay $0x4  }
0xda: {  	[tilespmem:s7+$0x8250] =	vst.add.f32.msk $0xffff, v4  }
0xdb: {  	v4 =	vld [tilespmem:s6+$0x260];
	_ =	sdelay $0x4  }
0xdc: {  	[tilespmem:s7+$0x8260] =	vst.add.f32.msk $0xffff, v4  }
0xdd: {  	v4 =	vld [tilespmem:s6+$0x270];
	_ =	sdelay $0x4  }
0xde: {  	[tilespmem:s7+$0x8270] =	vst.add.f32.msk $0xffff, v4  }
0xdf: {  	v4 =	vld [tilespmem:s6+$0x600];
	_ =	sdelay $0x4  }
0xe0: {  	[tilespmem:s7+$0x8600] =	vst.add.f32.msk $0xffff, v4  }
0xe1: {  	v4 =	vld [tilespmem:s6+$0x610];
	_ =	sdelay $0x4  }
0xe2: {  	[tilespmem:s7+$0x8610] =	vst.add.f32.msk $0xffff, v4  }
0xe3: {  	v4 =	vld [tilespmem:s6+$0x620];
	_ =	sdelay $0x4  }
0xe4: {  	[tilespmem:s7+$0x8620] =	vst.add.f32.msk $0xffff, v4  }
0xe5: {  	v4 =	vld [tilespmem:s6+$0x630];
	_ =	sdelay $0x4  }
0xe6: {  	[tilespmem:s7+$0x8630] =	vst.add.f32.msk $0xffff, v4  }
0xe7: {  	v4 =	vld [tilespmem:s6+$0x640];
	_ =	sdelay $0x4  }
0xe8: {  	[tilespmem:s7+$0x8640] =	vst.add.f32.msk $0xffff, v4  }
0xe9: {  	v4 =	vld [tilespmem:s6+$0x650];
	_ =	sdelay $0x4  }
0xea: {  	[tilespmem:s7+$0x8650] =	vst.add.f32.msk $0xffff, v4  }
0xeb: {  	v4 =	vld [tilespmem:s6+$0x660];
	_ =	sdelay $0x4  }
0xec: {  	[tilespmem:s7+$0x8660] =	vst.add.f32.msk $0xffff, v4  }
0xed: {  	v4 =	vld [tilespmem:s6+$0x670];
	_ =	sdelay $0x4  }
0xee: {  	s10 =	simm.s32 $0x101;
	[tilespmem:s7+$0x8670] =	vst.add.f32.msk $0xffff, v4  }
0xef: {  	s11 =	simm.s32 $0x200;
	s9 =	simm.s32 $0x100;
	v4 =	vld [tilespmem:s10+$0x0]  }
.LBB2_5:
0xf0: {  	p1 =	sne.s32 s11, $0x7F00;
	_ =	sdelay $0x3  }
0xf1: {  	(v2sf) =	vpush v4, $0x0;
	_ =	sdelay $0xc  }
0xf2: {  	s0 =	sadd.s32 $0x80, s0  }
0xf3: {  	s6 =	sand.u32 $0x7800, s9;
	s9 =	smov.u32 s11;
	s7 =	sand.u32 $0x380, s0  }
0xf4: {  	s7 =	sor.u32 s7, s6;
	s6 =	spop (v2sf)  }
0xf5: {  	s6 =	sadd.s32 s8, s6;
	v4 =	vld [tilespmem:s7+$0x200]  }
0xf6: {  	s6 =	smin.u32 s6, $0x140  }
0xf7: {  	s31 =	sshll.u32 s6, $0x8;
	s6 =	sshll.u32 s6, $0x7  }
0xf8: {  	s31 =	sand.u32 $0x1F800, s31;
	s6 =	sand.u32 $0x380, s6  }
0xf9: {  	s6 =	sor.u32 s6, s31  }
0xfa: {  	[tilespmem:s6+$0x8200] =	vst.add.f32.msk $0xffff, v4  }
0xfb: {  	v4 =	vld [tilespmem:s7+$0x210];
	_ =	sdelay $0x4  }
0xfc: {  	[tilespmem:s6+$0x8210] =	vst.add.f32.msk $0xffff, v4  }
0xfd: {  	v4 =	vld [tilespmem:s7+$0x220];
	_ =	sdelay $0x4  }
0xfe: {  	[tilespmem:s6+$0x8220] =	vst.add.f32.msk $0xffff, v4  }
0xff: {  	v4 =	vld [tilespmem:s7+$0x230];
	_ =	sdelay $0x4  }
0x100: {  	[tilespmem:s6+$0x8230] =	vst.add.f32.msk $0xffff, v4  }
0x101: {  	v4 =	vld [tilespmem:s7+$0x240];
	_ =	sdelay $0x4  }
0x102: {  	[tilespmem:s6+$0x8240] =	vst.add.f32.msk $0xffff, v4  }
0x103: {  	v4 =	vld [tilespmem:s7+$0x250];
	_ =	sdelay $0x4  }
0x104: {  	[tilespmem:s6+$0x8250] =	vst.add.f32.msk $0xffff, v4  }
0x105: {  	v4 =	vld [tilespmem:s7+$0x260];
	_ =	sdelay $0x4  }
0x106: {  	[tilespmem:s6+$0x8260] =	vst.add.f32.msk $0xffff, v4  }
0x107: {  	v4 =	vld [tilespmem:s7+$0x270];
	_ =	sdelay $0x4  }
0x108: {  	[tilespmem:s6+$0x8270] =	vst.add.f32.msk $0xffff, v4  }
0x109: {  	v4 =	vld [tilespmem:s7+$0x600];
	_ =	sdelay $0x4  }
0x10a: {  	[tilespmem:s6+$0x8600] =	vst.add.f32.msk $0xffff, v4  }
0x10b: {  	v4 =	vld [tilespmem:s7+$0x610];
	_ =	sdelay $0x4  }
0x10c: {  	[tilespmem:s6+$0x8610] =	vst.add.f32.msk $0xffff, v4  }
0x10d: {  	v4 =	vld [tilespmem:s7+$0x620];
	_ =	sdelay $0x4  }
0x10e: {  	[tilespmem:s6+$0x8620] =	vst.add.f32.msk $0xffff, v4  }
0x10f: {  	v4 =	vld [tilespmem:s7+$0x630];
	_ =	sdelay $0x4  }
0x110: {  	[tilespmem:s6+$0x8630] =	vst.add.f32.msk $0xffff, v4  }
0x111: {  	v4 =	vld [tilespmem:s7+$0x640];
	_ =	sdelay $0x4  }
0x112: {  	[tilespmem:s6+$0x8640] =	vst.add.f32.msk $0xffff, v4  }
0x113: {  	v4 =	vld [tilespmem:s7+$0x650];
	_ =	sdelay $0x4  }
0x114: {  	[tilespmem:s6+$0x8650] =	vst.add.f32.msk $0xffff, v4  }
0x115: {  	v4 =	vld [tilespmem:s7+$0x660];
	_ =	sdelay $0x4  }
0x116: {  	[tilespmem:s6+$0x8660] =	vst.add.f32.msk $0xffff, v4  }
0x117: {  	v4 =	vld [tilespmem:s7+$0x670];
	_ =	sdelay $0x1  }
.Ltmp4:
0x118: {  	(pc) =	sbr.rel @p1 .LBB2_5-.Ltmp4, $3  }
0x119: {  	_ =	sdelay $0x1  }
0x11a: {  	s10 =	sadd.s32 $0x1, s10;
	[tilespmem:s6+$0x8670] =	vst.add.f32.msk $0xffff, v4  }
0x11b: {  	s11 =	sadd.s32 $0x100, s11;
	v4 =	vld [tilespmem:s10+$0x0]  }
0x11c: {  	_ =	sdelay $0x3  }
0x11d: {  	(v2sf) =	vpush v4, $0x0;
	_ =	sdelay $0xc  }
0x11e: {  	s0 =	sadd.s32 $0x80, s0  }
0x11f: {  	s6 =	sand.u32 $0x7800, s9;
	s0 =	sand.u32 $0x380, s0  }
0x120: {  	s0 =	sor.u32 s0, s6;
	s31 =	spop (v2sf)  }
0x121: {  	v4 =	vld [tilespmem:s0+$0x200];
	s6 =	sadd.s32 s8, s31  }
0x122: {  	s6 =	smin.u32 s6, $0x140  }
0x123: {  	s7 =	sshll.u32 s6, $0x8;
	s6 =	sshll.u32 s6, $0x7  }
0x124: {  	s7 =	sand.u32 $0x1F800, s7;
	s6 =	sand.u32 $0x380, s6  }
0x125: {  	s6 =	sor.u32 s6, s7  }
0x126: {  	[tilespmem:s6+$0x8200] =	vst.add.f32.msk $0xffff, v4  }
0x127: {  	v4 =	vld [tilespmem:s0+$0x210];
	_ =	sdelay $0x4  }
0x128: {  	[tilespmem:s6+$0x8210] =	vst.add.f32.msk $0xffff, v4  }
0x129: {  	v4 =	vld [tilespmem:s0+$0x220];
	_ =	sdelay $0x4  }
0x12a: {  	[tilespmem:s6+$0x8220] =	vst.add.f32.msk $0xffff, v4  }
0x12b: {  	v4 =	vld [tilespmem:s0+$0x230];
	_ =	sdelay $0x4  }
0x12c: {  	[tilespmem:s6+$0x8230] =	vst.add.f32.msk $0xffff, v4  }
0x12d: {  	v4 =	vld [tilespmem:s0+$0x240];
	_ =	sdelay $0x4  }
0x12e: {  	[tilespmem:s6+$0x8240] =	vst.add.f32.msk $0xffff, v4  }
0x12f: {  	v4 =	vld [tilespmem:s0+$0x250];
	_ =	sdelay $0x4  }
0x130: {  	[tilespmem:s6+$0x8250] =	vst.add.f32.msk $0xffff, v4  }
0x131: {  	v4 =	vld [tilespmem:s0+$0x260];
	_ =	sdelay $0x4  }
0x132: {  	[tilespmem:s6+$0x8260] =	vst.add.f32.msk $0xffff, v4  }
0x133: {  	v4 =	vld [tilespmem:s0+$0x270];
	_ =	sdelay $0x4  }
0x134: {  	[tilespmem:s6+$0x8270] =	vst.add.f32.msk $0xffff, v4  }
0x135: {  	v4 =	vld [tilespmem:s0+$0x600];
	_ =	sdelay $0x4  }
0x136: {  	[tilespmem:s6+$0x8600] =	vst.add.f32.msk $0xffff, v4  }
0x137: {  	v4 =	vld [tilespmem:s0+$0x610];
	_ =	sdelay $0x4  }
0x138: {  	[tilespmem:s6+$0x8610] =	vst.add.f32.msk $0xffff, v4  }
0x139: {  	v4 =	vld [tilespmem:s0+$0x620];
	_ =	sdelay $0x4  }
0x13a: {  	[tilespmem:s6+$0x8620] =	vst.add.f32.msk $0xffff, v4  }
0x13b: {  	v4 =	vld [tilespmem:s0+$0x630];
	_ =	sdelay $0x4  }
0x13c: {  	[tilespmem:s6+$0x8630] =	vst.add.f32.msk $0xffff, v4  }
0x13d: {  	v4 =	vld [tilespmem:s0+$0x640];
	_ =	sdelay $0x4  }
0x13e: {  	[tilespmem:s6+$0x8640] =	vst.add.f32.msk $0xffff, v4  }
0x13f: {  	v4 =	vld [tilespmem:s0+$0x650];
	_ =	sdelay $0x4  }
0x140: {  	[tilespmem:s6+$0x8650] =	vst.add.f32.msk $0xffff, v4  }
0x141: {  	v4 =	vld [tilespmem:s0+$0x660];
	_ =	sdelay $0x4  }
0x142: {  	s1 =	sadd.s32 $0x1, s1;
	[tilespmem:s6+$0x8660] =	vst.add.f32.msk $0xffff, v4  }
0x143: {  	p1 =	slt.s32 s1, s3;
	v4 =	vld [tilespmem:s0+$0x670]  }
.Ltmp5:
0x144: {  	_ = 	snop;
	(pc) =	sbr.rel @p1 .LBB2_4-.Ltmp5, $4  }
.Ltmp6:
0x145: {  	_ = 	snop;
	(pc) =	sbr.rel @!p1 .LBB2_7-.Ltmp6, $4  }
0x146: {  	_ = 	snop  }
0x147: {  	_ = 	snop  }
0x148: {  	[tilespmem:s6+$0x8670] =	vst.add.f32.msk $0xffff, v4  }
0x149: {  	_ = 	snop  }
.LBB2_8:
0x14a: {  	_ =	sfence.sel $0x180000  }
0x14b: {  	[bflag:$0x0] =	sbarrier.arrive $0xFFFF  }
0x14c: {  	_ =	strace $0x90000047  }
0x14d: {  	s0 =	stileid.u32;
	[bflag:$0x2] =	sbarrier.arrive $0xFFFF  }
0x14e: {  	p0 =	sne.s32 s0, $0x0;
	s0 =	rddreg [dreg:$0x5]  }
0x14f: {  	s0 =	sadd.s32 @!p0 $0x100000, s0  }
0x150: {  	[sflag:s0] =	ssyncadd.tile.s32 @!p0 $0x1;
	_ =	shalt  }
.Lfunc_end2:
_tile_overlayer_lowered:
.L_overlay_start_2:
0x151: {  	(tag) =	ssettag $0x2  }
0x152: {  	s0 =	rddreg [dreg:$0x0];
	s2 =	stileid.u32  }
0x153: {  	s1 =	rddreg [dreg:$0x1];
	p0 =	sne.s32 s2, $0x0  }
0x154: {  	s3 =	rddreg [dreg:$0x2];
	[bflag:$0x3] =	sbarrier.arrive $0xFFFF;
	s2 =	simm.s32 @!p0 $0x1C01  }
0x155: {  	[timem:s3], [sflag:s2] =	dma.local @!p0 [hbm:s0], s1  }
0x156: {  	s0 =	simm.s32 @!p0 $0x1  }
0x157: {  	_ =	swait.ge @!p0 [sflag:s0], s1  }
0x158: {  	s1 =	ssub.s32 @!p0 $0x0, s1;
	[sflag:s0] =	ssyncset.done @!p0 $0x0  }
0x159: {  	[sflag:s0] =	ssyncadd.s32 @!p0 s1  }
0x15a: {  	[bflag:$0x3] =	sbarrier.arrive $0xFFFF  }
0x15b: {  	_ =	shalt  }

</sc_bundles>
